<compile_context>
chip_gen: v7x
topology: tpu7x:2x2x1
jax: 0.10.2.dev20260603
libtpu: 0.0.44.dev20260713+nightly
codegen_flags: <defaults>
</compile_context>

<pallas_src>
import functools

import jax
import jax.numpy as jnp
from jax import lax
from jax.experimental import pallas as pl
from jax.experimental.pallas import tpu as pltpu
from jax.experimental.pallas import tpu_sc as plsc

N_NODES = 10000
D_IN = 128
D_OUT = 128

N_PAD = 10112
DEG_W = 8
NC = 2
NS = 16
NW = NC * NS
CHUNK = 128
CHUNKS_PER_W = 80
EDGES_PER_W = CHUNK * CHUNKS_PER_W
E_PAD = EDGES_PER_W * NW
ROWS_PER_TILE = N_PAD // NS


def _sc_accumulate(x, src, dst, zsum, zdeg, ones8):
    mesh = plsc.VectorSubcoreMesh(core_axis_name="c", subcore_axis_name="s")

    @functools.partial(
        pl.kernel,
        mesh=mesh,
        compiler_params=pltpu.CompilerParams(use_tc_tiling_on_sc=False),
        out_type=(
            jax.ShapeDtypeStruct((NC, N_PAD, D_IN), jnp.float32),
            jax.ShapeDtypeStruct((NC, N_PAD, DEG_W), jnp.float32),
        ),
        scratch_types=[
            pltpu.VMEM_SHARED((N_PAD, D_IN), jnp.float32),
            pltpu.VMEM_SHARED((N_PAD, DEG_W), jnp.float32),
            pltpu.VMEM((2, CHUNK), jnp.int32),
            pltpu.VMEM((2, CHUNK), jnp.int32),
            pltpu.VMEM((2, CHUNK, D_IN), jnp.float32),
            pltpu.VMEM((CHUNK, DEG_W), jnp.float32),
            pltpu.SemaphoreType.DMA,
            pltpu.SemaphoreType.DMA,
        ],
    )
    def k(x_hbm, src_hbm, dst_hbm, zsum_hbm, zdeg_hbm, ones_hbm,
          sum_out, deg_out, acc, dacc, sidx, didx, rows, ones_v, sem0, sem1):
        c = lax.axis_index("c")
        s = lax.axis_index("s")
        wid = s * NC + c
        ebase = wid * EDGES_PER_W
        sems = (sem0, sem1)

        rbase = s * ROWS_PER_TILE
        rs = pl.ds(rbase, ROWS_PER_TILE)
        pltpu.sync_copy(zsum_hbm.at[rs], acc.at[rs])
        pltpu.sync_copy(zdeg_hbm.at[rs], dacc.at[rs])
        pltpu.sync_copy(ones_hbm, ones_v)
        plsc.subcore_barrier()

        def start(i, b):
            off = ebase + i * CHUNK
            pltpu.sync_copy(src_hbm.at[pl.ds(off, CHUNK)], sidx.at[b])
            pltpu.sync_copy(dst_hbm.at[pl.ds(off, CHUNK)], didx.at[b])
            pltpu.async_copy(x_hbm.at[sidx.at[b]], rows.at[b], sems[b])

        start(0, 0)

        def step(t, carry):
            g = t * 2
            for b in range(2):
                i = g + b
                pltpu.make_async_copy(x_hbm.at[sidx.at[b]], rows.at[b],
                                      sems[b]).wait()

                @pl.when(i + 1 < CHUNKS_PER_W)
                def _():
                    start(i + 1, 1 - b)

                pltpu.sync_copy(rows.at[b], acc.at[didx.at[b]], add=True)
                pltpu.sync_copy(ones_v, dacc.at[didx.at[b]], add=True)
            return carry

        lax.fori_loop(0, CHUNKS_PER_W // 2, step, 0)
        plsc.subcore_barrier()

        pltpu.sync_copy(acc.at[rs], sum_out.at[c, rs])
        pltpu.sync_copy(dacc.at[rs], deg_out.at[c, rs])

    return k(x, src, dst, zsum, zdeg, ones8)


def _tc_finish(psum, pdeg, W, b2):
    BR = 1000
    grid = (N_NODES // BR,)

    def body(p_ref, d_ref, w_ref, b_ref, o_ref):
        p = p_ref[0] + p_ref[1]
        d = d_ref[0] + d_ref[1]
        deg = d[:, 0:1]
        h = p / jnp.maximum(deg, 1.0)
        o_ref[...] = (
            jnp.dot(h, w_ref[...], preferred_element_type=jnp.float32) + b_ref[...]
        )

    return pl.pallas_call(
        body,
        grid=grid,
        in_specs=[
            pl.BlockSpec((NC, BR, D_IN), lambda i: (0, i, 0)),
            pl.BlockSpec((NC, BR, DEG_W), lambda i: (0, i, 0)),
            pl.BlockSpec((D_IN, D_OUT), lambda i: (0, 0)),
            pl.BlockSpec((1, D_OUT), lambda i: (0, 0)),
        ],
        out_specs=pl.BlockSpec((BR, D_OUT), lambda i: (i, 0)),
        out_shape=jax.ShapeDtypeStruct((N_NODES, D_OUT), jnp.float32),
    )(psum, pdeg, W, b2)


def kernel(x, edge_index, W, b):
    n_extra = E_PAD - edge_index.shape[1]
    src = jnp.concatenate([edge_index[0], jnp.zeros((n_extra,), jnp.int32)])
    dst = jnp.concatenate([edge_index[1],
                           jnp.full((n_extra,), N_NODES, dtype=jnp.int32)])
    zsum = jnp.zeros((N_PAD, D_IN), jnp.float32)
    zdeg = jnp.zeros((N_PAD, DEG_W), jnp.float32)
    ones8 = jnp.ones((CHUNK, DEG_W), jnp.float32)
    psum, pdeg = _sc_accumulate(x, src, dst, zsum, zdeg, ones8)
    return _tc_finish(psum, pdeg, W, b.reshape(1, D_OUT))

# --- scband reference (transcript-rebuilt; emitter-appended) ---
"""Pipeline reference for scband-gcnlayer-55499567399492 (READ-ONLY COPY).

The authoritative reference and input builder live on the scoring server;
editing this copy changes nothing except your own understanding.
"""

import jax, jax.numpy as jnp
import numpy as np

N_NODES = 10000
N_EDGES = 320000
D_IN = 128
D_OUT = 128


def setup_inputs(seed: int = 0) -> dict:
    key = jax.random.key(seed)
    k1, k2, k3 = jax.random.split(key, 3)
    x = jax.random.normal(k1, (N_NODES, D_IN), dtype=jnp.float32)
    edge_index = jax.random.randint(k2, (2, N_EDGES), 0, N_NODES, dtype=jnp.int32)
    # Linear layer params (nn.Linear(in_feats, out_feats))
    W = (jax.random.normal(k3, (D_IN, D_OUT), dtype=jnp.float32) * (1.0 / np.sqrt(D_IN)))
    b = jnp.zeros((D_OUT,), dtype=jnp.float32)
    return {"x": x, "edge_index": edge_index, "W": W, "b": b}


def reference(x, edge_index, W, b):
    # DGL GCN layer semantics:
    #   copy_src: message m_e = x[src_e]
    #   mean reduce: h_v = mean over incoming edges of m_e (dst-grouped)
    #   then linear: h @ W + b
    src = edge_index[0]
    dst = edge_index[1]
    n = x.shape[0]
    msgs = jnp.take(x, src, axis=0)                      # gather [E, D]
    summed = jax.ops.segment_sum(msgs, dst, num_segments=n)   # scatter-add [N, D]
    deg = jax.ops.segment_sum(jnp.ones((msgs.shape[0],), dtype=x.dtype), dst, num_segments=n)
    h = summed / jnp.maximum(deg, 1.0)[:, None]          # mean; zero-degree nodes stay 0
    return h @ W + b

if __name__ == "__main__":
    import jax
    _d = setup_inputs()
    print(jax.jit(kernel)(*tuple(_d.values())))

</pallas_src>

<mosaic_0001>
#map = affine_map<(d0, d1) -> (0, 0)>
#map1 = affine_map<(d0, d1) -> (0)>
#map2 = affine_map<(d0, d1) -> (0, 0, 0)>
module attributes {stable_mosaic.version = 14 : i64} {
  func.func @k(%arg0: i32, %arg1: i32, %arg2: memref<10000x128xf32, #tpu.memory_space<hbm>>, %arg3: memref<327680xi32, #tpu.memory_space<hbm>>, %arg4: memref<327680xi32, #tpu.memory_space<hbm>>, %arg5: memref<10112x128xf32, #tpu.memory_space<hbm>>, %arg6: memref<10112x8xf32, #tpu.memory_space<hbm>>, %arg7: memref<128x8xf32, #tpu.memory_space<hbm>>, %arg8: memref<2x10112x128xf32, #tpu.memory_space<hbm>>, %arg9: memref<2x10112x8xf32, #tpu.memory_space<hbm>>, %arg10: memref<10112x128xf32, #tpu.memory_space<vmem_shared>>, %arg11: memref<10112x8xf32, #tpu.memory_space<vmem_shared>>, %arg12: memref<2x128xi32, #tpu.memory_space<vmem>>, %arg13: memref<2x128xi32, #tpu.memory_space<vmem>>, %arg14: memref<2x128x128xf32, #tpu.memory_space<vmem>>, %arg15: memref<128x8xf32, #tpu.memory_space<vmem>>, %arg16: memref<!tpu.dma_semaphore, #tpu.memory_space<semaphore_mem>>, %arg17: memref<!tpu.dma_semaphore, #tpu.memory_space<semaphore_mem>>) attributes {dimension_semantics = [#tpu.dimension_semantics<core_parallel>, #tpu.dimension_semantics<subcore_parallel>], iteration_bounds = array<i64: 2, 16>, scalar_prefetch = 0 : i64, scratch_operands = 8 : i64, tpu.core_type = #tpu.core_type<sc_vector_subcore>, window_params = [{transform_indices = #map}, {transform_indices = #map1}, {transform_indices = #map1}, {transform_indices = #map}, {transform_indices = #map}, {transform_indices = #map}, {transform_indices = #map2}, {transform_indices = #map2}]} {
    %mul3A = arith.constant 2 : i32
    %mul3A_0 = arith.muli %arg1, %mul3A : i32
    %add3A = arith.addi %mul3A_0, %arg0 : i32
    %mul3A_1 = arith.constant 10240 : i32
    %mul3A_2 = arith.muli %add3A, %mul3A_1 : i32
    %mul3A_3 = arith.constant 632 : i32
    %mul3A_4 = arith.muli %arg1, %mul3A_3 : i32
    "tpu.region"() ({
      %run_scoped3A_25 = tpu.sem_alloc : memref<!tpu.dma_semaphore, #tpu.memory_space<semaphore_mem>>
      %dma_start3A_26 = arith.constant 0 : i32
      %dma_start3A_27 = tpu.memref_slice %arg10[%mul3A_4, %dma_start3A_26] : memref<10112x128xf32, #tpu.memory_space<vmem_shared>> -> memref<632x128xf32, #tpu.memory_space<vmem_shared>>
      %dma_start3A_28 = arith.constant 0 : i32
      %dma_start3A_29 = tpu.memref_slice %arg5[%mul3A_4, %dma_start3A_28] : memref<10112x128xf32, #tpu.memory_space<hbm>> -> memref<632x128xf32, #tpu.memory_space<hbm>>
      tpu.enqueue_dma source(%dma_start3A_29 : memref<632x128xf32, #tpu.memory_space<hbm>>) target(%dma_start3A_27 : memref<632x128xf32, #tpu.memory_space<vmem_shared>>) target_semaphore(%run_scoped3A_25 : memref<!tpu.dma_semaphore, #tpu.memory_space<semaphore_mem>>)
      %dma_wait3A = arith.constant 0 : i32
      %dma_wait3A_30 = tpu.memref_slice %arg10[%mul3A_4, %dma_wait3A] : memref<10112x128xf32, #tpu.memory_space<vmem_shared>> -> memref<632x128xf32, #tpu.memory_space<vmem_shared>>
      %dma_wait3A_31 = arith.constant 0 : i32
      %dma_wait3A_32 = tpu.memref_slice %arg5[%mul3A_4, %dma_wait3A_31] : memref<10112x128xf32, #tpu.memory_space<hbm>> -> memref<632x128xf32, #tpu.memory_space<hbm>>
      tpu.wait_dma2 semaphore(%run_scoped3A_25 : memref<!tpu.dma_semaphore, #tpu.memory_space<semaphore_mem>>) src(%dma_wait3A_32 : memref<632x128xf32, #tpu.memory_space<hbm>>) dst(%dma_wait3A_30 : memref<632x128xf32, #tpu.memory_space<vmem_shared>>)
      tpu.yield
    }) : () -> ()
    "tpu.region"() ({
      %run_scoped3A_25 = tpu.sem_alloc : memref<!tpu.dma_semaphore, #tpu.memory_space<semaphore_mem>>
      %dma_start3A_26 = arith.constant 0 : i32
      %dma_start3A_27 = tpu.memref_slice %arg11[%mul3A_4, %dma_start3A_26] : memref<10112x8xf32, #tpu.memory_space<vmem_shared>> -> memref<632x8xf32, #tpu.memory_space<vmem_shared>>
      %dma_start3A_28 = arith.constant 0 : i32
      %dma_start3A_29 = tpu.memref_slice %arg6[%mul3A_4, %dma_start3A_28] : memref<10112x8xf32, #tpu.memory_space<hbm>> -> memref<632x8xf32, #tpu.memory_space<hbm>>
      tpu.enqueue_dma source(%dma_start3A_29 : memref<632x8xf32, #tpu.memory_space<hbm>>) target(%dma_start3A_27 : memref<632x8xf32, #tpu.memory_space<vmem_shared>>) target_semaphore(%run_scoped3A_25 : memref<!tpu.dma_semaphore, #tpu.memory_space<semaphore_mem>>)
      %dma_wait3A = arith.constant 0 : i32
      %dma_wait3A_30 = tpu.memref_slice %arg11[%mul3A_4, %dma_wait3A] : memref<10112x8xf32, #tpu.memory_space<vmem_shared>> -> memref<632x8xf32, #tpu.memory_space<vmem_shared>>
      %dma_wait3A_31 = arith.constant 0 : i32
      %dma_wait3A_32 = tpu.memref_slice %arg6[%mul3A_4, %dma_wait3A_31] : memref<10112x8xf32, #tpu.memory_space<hbm>> -> memref<632x8xf32, #tpu.memory_space<hbm>>
      tpu.wait_dma2 semaphore(%run_scoped3A_25 : memref<!tpu.dma_semaphore, #tpu.memory_space<semaphore_mem>>) src(%dma_wait3A_32 : memref<632x8xf32, #tpu.memory_space<hbm>>) dst(%dma_wait3A_30 : memref<632x8xf32, #tpu.memory_space<vmem_shared>>)
      tpu.yield
    }) : () -> ()
    "tpu.region"() ({
      %run_scoped3A_25 = tpu.sem_alloc : memref<!tpu.dma_semaphore, #tpu.memory_space<semaphore_mem>>
      tpu.enqueue_dma source(%arg7 : memref<128x8xf32, #tpu.memory_space<hbm>>) target(%arg15 : memref<128x8xf32, #tpu.memory_space<vmem>>) target_semaphore(%run_scoped3A_25 : memref<!tpu.dma_semaphore, #tpu.memory_space<semaphore_mem>>)
      tpu.wait_dma2 semaphore(%run_scoped3A_25 : memref<!tpu.dma_semaphore, #tpu.memory_space<semaphore_mem>>) src(%arg7 : memref<128x8xf32, #tpu.memory_space<hbm>>) dst(%arg15 : memref<128x8xf32, #tpu.memory_space<vmem>>)
      tpu.yield
    }) : () -> ()
    %barrier3A = arith.constant 0 : index
    tpu.barrier barrier_id(%barrier3A)
    %add3A_5 = arith.constant 0 : i32
    %add3A_6 = arith.addi %mul3A_2, %add3A_5 : i32
    %run_scoped3A = arith.constant 0 : i32
    "tpu.region"() ({
      %run_scoped3A_25 = tpu.sem_alloc : memref<!tpu.dma_semaphore, #tpu.memory_space<semaphore_mem>>
      %dma_start3A_26 = arith.constant 0 : i32
      %dma_start3A_27 = tpu.memref_slice %arg12[%run_scoped3A, %dma_start3A_26] : memref<2x128xi32, #tpu.memory_space<vmem>> -> memref<1x128xi32, #tpu.memory_space<vmem>>
      %dma_start3A_28 = tpu.memref_squeeze %dma_start3A_27 : memref<1x128xi32, #tpu.memory_space<vmem>> -> memref<128xi32, #tpu.memory_space<vmem>>
      %dma_start3A_29 = tpu.memref_slice %arg3[%add3A_6] : memref<327680xi32, #tpu.memory_space<hbm>> -> memref<128xi32, #tpu.memory_space<hbm>>
      %dma_start3A_30 = arith.constant 0 : i32
      %dma_start3A_31 = tpu.memref_slice %arg12[%run_scoped3A, %dma_start3A_30] : memref<2x128xi32, #tpu.memory_space<vmem>> -> memref<1x128xi32, #tpu.memory_space<vmem>>
      %dma_start3A_32 = tpu.memref_squeeze %dma_start3A_31 : memref<1x128xi32, #tpu.memory_space<vmem>> -> memref<128xi32, #tpu.memory_space<vmem>>
      %dma_start3A_33 = tpu.memref_slice %arg3[%add3A_6] : memref<327680xi32, #tpu.memory_space<hbm>> -> memref<128xi32, #tpu.memory_space<hbm>>
      tpu.enqueue_dma source(%dma_start3A_33 : memref<128xi32, #tpu.memory_space<hbm>>) target(%dma_start3A_32 : memref<128xi32, #tpu.memory_space<vmem>>) target_semaphore(%run_scoped3A_25 : memref<!tpu.dma_semaphore, #tpu.memory_space<semaphore_mem>>)
      %dma_wait3A = arith.constant 0 : i32
      %dma_wait3A_34 = tpu.memref_slice %arg12[%run_scoped3A, %dma_wait3A] : memref<2x128xi32, #tpu.memory_space<vmem>> -> memref<1x128xi32, #tpu.memory_space<vmem>>
      %dma_wait3A_35 = tpu.memref_squeeze %dma_wait3A_34 : memref<1x128xi32, #tpu.memory_space<vmem>> -> memref<128xi32, #tpu.memory_space<vmem>>
      %dma_wait3A_36 = tpu.memref_slice %arg3[%add3A_6] : memref<327680xi32, #tpu.memory_space<hbm>> -> memref<128xi32, #tpu.memory_space<hbm>>
      %dma_wait3A_37 = arith.constant 0 : i32
      %dma_wait3A_38 = tpu.memref_slice %arg12[%run_scoped3A, %dma_wait3A_37] : memref<2x128xi32, #tpu.memory_space<vmem>> -> memref<1x128xi32, #tpu.memory_space<vmem>>
      %dma_wait3A_39 = tpu.memref_squeeze %dma_wait3A_38 : memref<1x128xi32, #tpu.memory_space<vmem>> -> memref<128xi32, #tpu.memory_space<vmem>>
      %dma_wait3A_40 = tpu.memref_slice %arg3[%add3A_6] : memref<327680xi32, #tpu.memory_space<hbm>> -> memref<128xi32, #tpu.memory_space<hbm>>
      tpu.wait_dma2 semaphore(%run_scoped3A_25 : memref<!tpu.dma_semaphore, #tpu.memory_space<semaphore_mem>>) src(%dma_wait3A_40 : memref<128xi32, #tpu.memory_space<hbm>>) dst(%dma_wait3A_39 : memref<128xi32, #tpu.memory_space<vmem>>)
      tpu.yield
    }) : () -> ()
    %run_scoped3A_7 = arith.constant 0 : i32
    "tpu.region"() ({
      %run_scoped3A_25 = tpu.sem_alloc : memref<!tpu.dma_semaphore, #tpu.memory_space<semaphore_mem>>
      %dma_start3A_26 = arith.constant 0 : i32
      %dma_start3A_27 = tpu.memref_slice %arg13[%run_scoped3A_7, %dma_start3A_26] : memref<2x128xi32, #tpu.memory_space<vmem>> -> memref<1x128xi32, #tpu.memory_space<vmem>>
      %dma_start3A_28 = tpu.memref_squeeze %dma_start3A_27 : memref<1x128xi32, #tpu.memory_space<vmem>> -> memref<128xi32, #tpu.memory_space<vmem>>
      %dma_start3A_29 = tpu.memref_slice %arg4[%add3A_6] : memref<327680xi32, #tpu.memory_space<hbm>> -> memref<128xi32, #tpu.memory_space<hbm>>
      %dma_start3A_30 = arith.constant 0 : i32
      %dma_start3A_31 = tpu.memref_slice %arg13[%run_scoped3A_7, %dma_start3A_30] : memref<2x128xi32, #tpu.memory_space<vmem>> -> memref<1x128xi32, #tpu.memory_space<vmem>>
      %dma_start3A_32 = tpu.memref_squeeze %dma_start3A_31 : memref<1x128xi32, #tpu.memory_space<vmem>> -> memref<128xi32, #tpu.memory_space<vmem>>
      %dma_start3A_33 = tpu.memref_slice %arg4[%add3A_6] : memref<327680xi32, #tpu.memory_space<hbm>> -> memref<128xi32, #tpu.memory_space<hbm>>
      tpu.enqueue_dma source(%dma_start3A_33 : memref<128xi32, #tpu.memory_space<hbm>>) target(%dma_start3A_32 : memref<128xi32, #tpu.memory_space<vmem>>) target_semaphore(%run_scoped3A_25 : memref<!tpu.dma_semaphore, #tpu.memory_space<semaphore_mem>>)
      %dma_wait3A = arith.constant 0 : i32
      %dma_wait3A_34 = tpu.memref_slice %arg13[%run_scoped3A_7, %dma_wait3A] : memref<2x128xi32, #tpu.memory_space<vmem>> -> memref<1x128xi32, #tpu.memory_space<vmem>>
      %dma_wait3A_35 = tpu.memref_squeeze %dma_wait3A_34 : memref<1x128xi32, #tpu.memory_space<vmem>> -> memref<128xi32, #tpu.memory_space<vmem>>
      %dma_wait3A_36 = tpu.memref_slice %arg4[%add3A_6] : memref<327680xi32, #tpu.memory_space<hbm>> -> memref<128xi32, #tpu.memory_space<hbm>>
      %dma_wait3A_37 = arith.constant 0 : i32
      %dma_wait3A_38 = tpu.memref_slice %arg13[%run_scoped3A_7, %dma_wait3A_37] : memref<2x128xi32, #tpu.memory_space<vmem>> -> memref<1x128xi32, #tpu.memory_space<vmem>>
      %dma_wait3A_39 = tpu.memref_squeeze %dma_wait3A_38 : memref<1x128xi32, #tpu.memory_space<vmem>> -> memref<128xi32, #tpu.memory_space<vmem>>
      %dma_wait3A_40 = tpu.memref_slice %arg4[%add3A_6] : memref<327680xi32, #tpu.memory_space<hbm>> -> memref<128xi32, #tpu.memory_space<hbm>>
      tpu.wait_dma2 semaphore(%run_scoped3A_25 : memref<!tpu.dma_semaphore, #tpu.memory_space<semaphore_mem>>) src(%dma_wait3A_40 : memref<128xi32, #tpu.memory_space<hbm>>) dst(%dma_wait3A_39 : memref<128xi32, #tpu.memory_space<vmem>>)
      tpu.yield
    }) : () -> ()
    %dma_start3A = arith.constant 0 : i32
    %dma_start3A_8 = arith.constant 0 : i32
    %dma_start3A_9 = arith.constant 0 : i32
    %dma_start3A_10 = arith.constant 0 : i32
    %dma_start3A_11 = tpu.memref_slice %arg14[%dma_start3A_8, %dma_start3A_9, %dma_start3A_10] : memref<2x128x128xf32, #tpu.memory_space<vmem>> -> memref<1x128x128xf32, #tpu.memory_space<vmem>>
    %dma_start3A_12 = tpu.memref_squeeze %dma_start3A_11 : memref<1x128x128xf32, #tpu.memory_space<vmem>> -> memref<128x128xf32, #tpu.memory_space<vmem>>
    %dma_start3A_13 = arith.constant 0 : i32
    %dma_start3A_14 = tpu.memref_slice %arg12[%dma_start3A, %dma_start3A_13] : memref<2x128xi32, #tpu.memory_space<vmem>> -> memref<1x128xi32, #tpu.memory_space<vmem>>
    %dma_start3A_15 = tpu.memref_squeeze %dma_start3A_14 : memref<1x128xi32, #tpu.memory_space<vmem>> -> memref<128xi32, #tpu.memory_space<vmem>>
    %dma_start3A_16 = arith.constant 0 : i32
    %dma_start3A_17 = arith.constant 0 : i32
    %dma_start3A_18 = tpu.memref_slice %arg2[%dma_start3A_16, %dma_start3A_17] : memref<10000x128xf32, #tpu.memory_space<hbm>> -> memref<10000x128xf32, #tpu.memory_space<hbm>>
    tpu.enqueue_indirect_dma source(%dma_start3A_18 : memref<10000x128xf32, #tpu.memory_space<hbm>>) target(%dma_start3A_12 : memref<128x128xf32, #tpu.memory_space<vmem>>) offsets(%dma_start3A_15 : memref<128xi32, #tpu.memory_space<vmem>>) semaphore(%arg16 : memref<!tpu.dma_semaphore, #tpu.memory_space<semaphore_mem>>)
    %scan3A = arith.constant 0 : i32
    %scan3A_19 = arith.constant 0 : i32
    %scan3A_20 = arith.constant 40 : i32
    %scan3A_21 = arith.addi %scan3A_19, %scan3A_20 : i32
    %scan3A_22 = arith.constant 1 : i32
    scf.for %scan3A_25 = %scan3A_19 to %scan3A_21 step %scan3A_22  : i32 {
      %mul3A_26 = arith.constant 2 : i32
      %mul3A_27 = arith.muli %scan3A_25, %mul3A_26 : i32
      %add3A_28 = arith.constant 0 : i32
      %add3A_29 = arith.addi %mul3A_27, %add3A_28 : i32
      %dma_wait3A = arith.constant 0 : i32
      %dma_wait3A_30 = arith.constant 0 : i32
      %dma_wait3A_31 = arith.constant 0 : i32
      %dma_wait3A_32 = arith.constant 0 : i32
      %dma_wait3A_33 = tpu.memref_slice %arg14[%dma_wait3A_30, %dma_wait3A_31, %dma_wait3A_32] : memref<2x128x128xf32, #tpu.memory_space<vmem>> -> memref<1x128x128xf32, #tpu.memory_space<vmem>>
      %dma_wait3A_34 = tpu.memref_squeeze %dma_wait3A_33 : memref<1x128x128xf32, #tpu.memory_space<vmem>> -> memref<128x128xf32, #tpu.memory_space<vmem>>
      %dma_wait3A_35 = arith.constant 0 : i32
      %dma_wait3A_36 = tpu.memref_slice %arg12[%dma_wait3A, %dma_wait3A_35] : memref<2x128xi32, #tpu.memory_space<vmem>> -> memref<1x128xi32, #tpu.memory_space<vmem>>
      %dma_wait3A_37 = tpu.memref_squeeze %dma_wait3A_36 : memref<1x128xi32, #tpu.memory_space<vmem>> -> memref<128xi32, #tpu.memory_space<vmem>>
      %dma_wait3A_38 = arith.constant 0 : i32
      %dma_wait3A_39 = arith.constant 0 : i32
      %dma_wait3A_40 = tpu.memref_slice %arg2[%dma_wait3A_38, %dma_wait3A_39] : memref<10000x128xf32, #tpu.memory_space<hbm>> -> memref<10000x128xf32, #tpu.memory_space<hbm>>
      tpu.wait_indirect_dma semaphore(%arg16 : memref<!tpu.dma_semaphore, #tpu.memory_space<semaphore_mem>>) src(%dma_wait3A_40 : memref<10000x128xf32, #tpu.memory_space<hbm>>) dst(%dma_wait3A_34 : memref<128x128xf32, #tpu.memory_space<vmem>>)
      %add3A_41 = arith.constant 1 : i32
      %add3A_42 = arith.addi %add3A_29, %add3A_41 : i32
      %lt3A = arith.constant 80 : i32
      %lt3A_43 = arith.cmpi slt, %add3A_42, %lt3A : i32
      %convert_element_type3A = arith.extui %lt3A_43 : i1 to i32
      %cond3A = arith.constant 0 : i32
      %cond3A_44 = arith.cmpi ne, %convert_element_type3A, %cond3A : i32
      scf.if %cond3A_44 {
        %add3A_72 = arith.constant 1 : i32
        %add3A_73 = arith.addi %add3A_29, %add3A_72 : i32
        %mul3A_74 = arith.constant 128 : i32
        %mul3A_75 = arith.muli %add3A_73, %mul3A_74 : i32
        %add3A_76 = arith.addi %mul3A_2, %mul3A_75 : i32
        %run_scoped3A_77 = arith.constant 1 : i32
        "tpu.region"() ({
          %run_scoped3A_91 = tpu.sem_alloc : memref<!tpu.dma_semaphore, #tpu.memory_space<semaphore_mem>>
          %dma_start3A_92 = arith.constant 0 : i32
          %dma_start3A_93 = tpu.memref_slice %arg12[%run_scoped3A_77, %dma_start3A_92] : memref<2x128xi32, #tpu.memory_space<vmem>> -> memref<1x128xi32, #tpu.memory_space<vmem>>
          %dma_start3A_94 = tpu.memref_squeeze %dma_start3A_93 : memref<1x128xi32, #tpu.memory_space<vmem>> -> memref<128xi32, #tpu.memory_space<vmem>>
          %dma_start3A_95 = tpu.memref_slice %arg3[%add3A_76] : memref<327680xi32, #tpu.memory_space<hbm>> -> memref<128xi32, #tpu.memory_space<hbm>>
          %dma_start3A_96 = arith.constant 0 : i32
          %dma_start3A_97 = tpu.memref_slice %arg12[%run_scoped3A_77, %dma_start3A_96] : memref<2x128xi32, #tpu.memory_space<vmem>> -> memref<1x128xi32, #tpu.memory_space<vmem>>
          %dma_start3A_98 = tpu.memref_squeeze %dma_start3A_97 : memref<1x128xi32, #tpu.memory_space<vmem>> -> memref<128xi32, #tpu.memory_space<vmem>>
          %dma_start3A_99 = tpu.memref_slice %arg3[%add3A_76] : memref<327680xi32, #tpu.memory_space<hbm>> -> memref<128xi32, #tpu.memory_space<hbm>>
          tpu.enqueue_dma source(%dma_start3A_99 : memref<128xi32, #tpu.memory_space<hbm>>) target(%dma_start3A_98 : memref<128xi32, #tpu.memory_space<vmem>>) target_semaphore(%run_scoped3A_91 : memref<!tpu.dma_semaphore, #tpu.memory_space<semaphore_mem>>)
          %dma_wait3A_100 = arith.constant 0 : i32
          %dma_wait3A_101 = tpu.memref_slice %arg12[%run_scoped3A_77, %dma_wait3A_100] : memref<2x128xi32, #tpu.memory_space<vmem>> -> memref<1x128xi32, #tpu.memory_space<vmem>>
          %dma_wait3A_102 = tpu.memref_squeeze %dma_wait3A_101 : memref<1x128xi32, #tpu.memory_space<vmem>> -> memref<128xi32, #tpu.memory_space<vmem>>
          %dma_wait3A_103 = tpu.memref_slice %arg3[%add3A_76] : memref<327680xi32, #tpu.memory_space<hbm>> -> memref<128xi32, #tpu.memory_space<hbm>>
          %dma_wait3A_104 = arith.constant 0 : i32
          %dma_wait3A_105 = tpu.memref_slice %arg12[%run_scoped3A_77, %dma_wait3A_104] : memref<2x128xi32, #tpu.memory_space<vmem>> -> memref<1x128xi32, #tpu.memory_space<vmem>>
          %dma_wait3A_106 = tpu.memref_squeeze %dma_wait3A_105 : memref<1x128xi32, #tpu.memory_space<vmem>> -> memref<128xi32, #tpu.memory_space<vmem>>
          %dma_wait3A_107 = tpu.memref_slice %arg3[%add3A_76] : memref<327680xi32, #tpu.memory_space<hbm>> -> memref<128xi32, #tpu.memory_space<hbm>>
          tpu.wait_dma2 semaphore(%run_scoped3A_91 : memref<!tpu.dma_semaphore, #tpu.memory_space<semaphore_mem>>) src(%dma_wait3A_107 : memref<128xi32, #tpu.memory_space<hbm>>) dst(%dma_wait3A_106 : memref<128xi32, #tpu.memory_space<vmem>>)
          tpu.yield
        }) : () -> ()
        %run_scoped3A_78 = arith.constant 1 : i32
        "tpu.region"() ({
          %run_scoped3A_91 = tpu.sem_alloc : memref<!tpu.dma_semaphore, #tpu.memory_space<semaphore_mem>>
          %dma_start3A_92 = arith.constant 0 : i32
          %dma_start3A_93 = tpu.memref_slice %arg13[%run_scoped3A_78, %dma_start3A_92] : memref<2x128xi32, #tpu.memory_space<vmem>> -> memref<1x128xi32, #tpu.memory_space<vmem>>
          %dma_start3A_94 = tpu.memref_squeeze %dma_start3A_93 : memref<1x128xi32, #tpu.memory_space<vmem>> -> memref<128xi32, #tpu.memory_space<vmem>>
          %dma_start3A_95 = tpu.memref_slice %arg4[%add3A_76] : memref<327680xi32, #tpu.memory_space<hbm>> -> memref<128xi32, #tpu.memory_space<hbm>>
          %dma_start3A_96 = arith.constant 0 : i32
          %dma_start3A_97 = tpu.memref_slice %arg13[%run_scoped3A_78, %dma_start3A_96] : memref<2x128xi32, #tpu.memory_space<vmem>> -> memref<1x128xi32, #tpu.memory_space<vmem>>
          %dma_start3A_98 = tpu.memref_squeeze %dma_start3A_97 : memref<1x128xi32, #tpu.memory_space<vmem>> -> memref<128xi32, #tpu.memory_space<vmem>>
          %dma_start3A_99 = tpu.memref_slice %arg4[%add3A_76] : memref<327680xi32, #tpu.memory_space<hbm>> -> memref<128xi32, #tpu.memory_space<hbm>>
          tpu.enqueue_dma source(%dma_start3A_99 : memref<128xi32, #tpu.memory_space<hbm>>) target(%dma_start3A_98 : memref<128xi32, #tpu.memory_space<vmem>>) target_semaphore(%run_scoped3A_91 : memref<!tpu.dma_semaphore, #tpu.memory_space<semaphore_mem>>)
          %dma_wait3A_100 = arith.constant 0 : i32
          %dma_wait3A_101 = tpu.memref_slice %arg13[%run_scoped3A_78, %dma_wait3A_100] : memref<2x128xi32, #tpu.memory_space<vmem>> -> memref<1x128xi32, #tpu.memory_space<vmem>>
          %dma_wait3A_102 = tpu.memref_squeeze %dma_wait3A_101 : memref<1x128xi32, #tpu.memory_space<vmem>> -> memref<128xi32, #tpu.memory_space<vmem>>
          %dma_wait3A_103 = tpu.memref_slice %arg4[%add3A_76] : memref<327680xi32, #tpu.memory_space<hbm>> -> memref<128xi32, #tpu.memory_space<hbm>>
          %dma_wait3A_104 = arith.constant 0 : i32
          %dma_wait3A_105 = tpu.memref_slice %arg13[%run_scoped3A_78, %dma_wait3A_104] : memref<2x128xi32, #tpu.memory_space<vmem>> -> memref<1x128xi32, #tpu.memory_space<vmem>>
          %dma_wait3A_106 = tpu.memref_squeeze %dma_wait3A_105 : memref<1x128xi32, #tpu.memory_space<vmem>> -> memref<128xi32, #tpu.memory_space<vmem>>
          %dma_wait3A_107 = tpu.memref_slice %arg4[%add3A_76] : memref<327680xi32, #tpu.memory_space<hbm>> -> memref<128xi32, #tpu.memory_space<hbm>>
          tpu.wait_dma2 semaphore(%run_scoped3A_91 : memref<!tpu.dma_semaphore, #tpu.memory_space<semaphore_mem>>) src(%dma_wait3A_107 : memref<128xi32, #tpu.memory_space<hbm>>) dst(%dma_wait3A_106 : memref<128xi32, #tpu.memory_space<vmem>>)
          tpu.yield
        }) : () -> ()
        %dma_start3A_79 = arith.constant 1 : i32
        %dma_start3A_80 = arith.constant 1 : i32
        %dma_start3A_81 = arith.constant 0 : i32
        %dma_start3A_82 = arith.constant 0 : i32
        %dma_start3A_83 = tpu.memref_slice %arg14[%dma_start3A_80, %dma_start3A_81, %dma_start3A_82] : memref<2x128x128xf32, #tpu.memory_space<vmem>> -> memref<1x128x128xf32, #tpu.memory_space<vmem>>
        %dma_start3A_84 = tpu.memref_squeeze %dma_start3A_83 : memref<1x128x128xf32, #tpu.memory_space<vmem>> -> memref<128x128xf32, #tpu.memory_space<vmem>>
        %dma_start3A_85 = arith.constant 0 : i32
        %dma_start3A_86 = tpu.memref_slice %arg12[%dma_start3A_79, %dma_start3A_85] : memref<2x128xi32, #tpu.memory_space<vmem>> -> memref<1x128xi32, #tpu.memory_space<vmem>>
        %dma_start3A_87 = tpu.memref_squeeze %dma_start3A_86 : memref<1x128xi32, #tpu.memory_space<vmem>> -> memref<128xi32, #tpu.memory_space<vmem>>
        %dma_start3A_88 = arith.constant 0 : i32
        %dma_start3A_89 = arith.constant 0 : i32
        %dma_start3A_90 = tpu.memref_slice %arg2[%dma_start3A_88, %dma_start3A_89] : memref<10000x128xf32, #tpu.memory_space<hbm>> -> memref<10000x128xf32, #tpu.memory_space<hbm>>
        tpu.enqueue_indirect_dma source(%dma_start3A_90 : memref<10000x128xf32, #tpu.memory_space<hbm>>) target(%dma_start3A_84 : memref<128x128xf32, #tpu.memory_space<vmem>>) offsets(%dma_start3A_87 : memref<128xi32, #tpu.memory_space<vmem>>) semaphore(%arg17 : memref<!tpu.dma_semaphore, #tpu.memory_space<semaphore_mem>>)
      } else {
      }
      %run_scoped3A_45 = arith.constant 0 : i32
      %run_scoped3A_46 = arith.constant 0 : i32
      "tpu.region"() ({
        %run_scoped3A_72 = tpu.sem_alloc : memref<!tpu.dma_semaphore, #tpu.memory_space<semaphore_mem>>
        %dma_start3A_73 = arith.constant 0 : i32
        %dma_start3A_74 = arith.constant 0 : i32
        %dma_start3A_75 = tpu.memref_slice %arg14[%run_scoped3A_45, %dma_start3A_73, %dma_start3A_74] : memref<2x128x128xf32, #tpu.memory_space<vmem>> -> memref<1x128x128xf32, #tpu.memory_space<vmem>>
        %dma_start3A_76 = tpu.memref_squeeze %dma_start3A_75 : memref<1x128x128xf32, #tpu.memory_space<vmem>> -> memref<128x128xf32, #tpu.memory_space<vmem>>
        %dma_start3A_77 = arith.constant 0 : i32
        %dma_start3A_78 = tpu.memref_slice %arg13[%run_scoped3A_46, %dma_start3A_77] : memref<2x128xi32, #tpu.memory_space<vmem>> -> memref<1x128xi32, #tpu.memory_space<vmem>>
        %dma_start3A_79 = tpu.memref_squeeze %dma_start3A_78 : memref<1x128xi32, #tpu.memory_space<vmem>> -> memref<128xi32, #tpu.memory_space<vmem>>
        %dma_start3A_80 = arith.constant 0 : i32
        %dma_start3A_81 = arith.constant 0 : i32
        %dma_start3A_82 = tpu.memref_slice %arg10[%dma_start3A_80, %dma_start3A_81] : memref<10112x128xf32, #tpu.memory_space<vmem_shared>> -> memref<10112x128xf32, #tpu.memory_space<vmem_shared>>
        tpu.enqueue_indirect_dma source(%dma_start3A_76 : memref<128x128xf32, #tpu.memory_space<vmem>>) target(%dma_start3A_82 : memref<10112x128xf32, #tpu.memory_space<vmem_shared>>) offsets(%dma_start3A_79 : memref<128xi32, #tpu.memory_space<vmem>>) semaphore(%run_scoped3A_72 : memref<!tpu.dma_semaphore, #tpu.memory_space<semaphore_mem>>) {add = true}
        %dma_wait3A_83 = arith.constant 0 : i32
        %dma_wait3A_84 = arith.constant 0 : i32
        %dma_wait3A_85 = tpu.memref_slice %arg14[%run_scoped3A_45, %dma_wait3A_83, %dma_wait3A_84] : memref<2x128x128xf32, #tpu.memory_space<vmem>> -> memref<1x128x128xf32, #tpu.memory_space<vmem>>
        %dma_wait3A_86 = tpu.memref_squeeze %dma_wait3A_85 : memref<1x128x128xf32, #tpu.memory_space<vmem>> -> memref<128x128xf32, #tpu.memory_space<vmem>>
        %dma_wait3A_87 = arith.constant 0 : i32
        %dma_wait3A_88 = tpu.memref_slice %arg13[%run_scoped3A_46, %dma_wait3A_87] : memref<2x128xi32, #tpu.memory_space<vmem>> -> memref<1x128xi32, #tpu.memory_space<vmem>>
        %dma_wait3A_89 = tpu.memref_squeeze %dma_wait3A_88 : memref<1x128xi32, #tpu.memory_space<vmem>> -> memref<128xi32, #tpu.memory_space<vmem>>
        %dma_wait3A_90 = arith.constant 0 : i32
        %dma_wait3A_91 = arith.constant 0 : i32
        %dma_wait3A_92 = tpu.memref_slice %arg10[%dma_wait3A_90, %dma_wait3A_91] : memref<10112x128xf32, #tpu.memory_space<vmem_shared>> -> memref<10112x128xf32, #tpu.memory_space<vmem_shared>>
        tpu.wait_indirect_dma semaphore(%run_scoped3A_72 : memref<!tpu.dma_semaphore, #tpu.memory_space<semaphore_mem>>) src(%dma_wait3A_86 : memref<128x128xf32, #tpu.memory_space<vmem>>) dst(%dma_wait3A_92 : memref<10112x128xf32, #tpu.memory_space<vmem_shared>>)
        tpu.yield
      }) : () -> ()
      %run_scoped3A_47 = arith.constant 0 : i32
      "tpu.region"() ({
        %run_scoped3A_72 = tpu.sem_alloc : memref<!tpu.dma_semaphore, #tpu.memory_space<semaphore_mem>>
        %dma_start3A_73 = arith.constant 0 : i32
        %dma_start3A_74 = tpu.memref_slice %arg13[%run_scoped3A_47, %dma_start3A_73] : memref<2x128xi32, #tpu.memory_space<vmem>> -> memref<1x128xi32, #tpu.memory_space<vmem>>
        %dma_start3A_75 = tpu.memref_squeeze %dma_start3A_74 : memref<1x128xi32, #tpu.memory_space<vmem>> -> memref<128xi32, #tpu.memory_space<vmem>>
        %dma_start3A_76 = arith.constant 0 : i32
        %dma_start3A_77 = arith.constant 0 : i32
        %dma_start3A_78 = tpu.memref_slice %arg11[%dma_start3A_76, %dma_start3A_77] : memref<10112x8xf32, #tpu.memory_space<vmem_shared>> -> memref<10112x8xf32, #tpu.memory_space<vmem_shared>>
        tpu.enqueue_indirect_dma source(%arg15 : memref<128x8xf32, #tpu.memory_space<vmem>>) target(%dma_start3A_78 : memref<10112x8xf32, #tpu.memory_space<vmem_shared>>) offsets(%dma_start3A_75 : memref<128xi32, #tpu.memory_space<vmem>>) semaphore(%run_scoped3A_72 : memref<!tpu.dma_semaphore, #tpu.memory_space<semaphore_mem>>) {add = true}
        %dma_wait3A_79 = arith.constant 0 : i32
        %dma_wait3A_80 = tpu.memref_slice %arg13[%run_scoped3A_47, %dma_wait3A_79] : memref<2x128xi32, #tpu.memory_space<vmem>> -> memref<1x128xi32, #tpu.memory_space<vmem>>
        %dma_wait3A_81 = tpu.memref_squeeze %dma_wait3A_80 : memref<1x128xi32, #tpu.memory_space<vmem>> -> memref<128xi32, #tpu.memory_space<vmem>>
        %dma_wait3A_82 = arith.constant 0 : i32
        %dma_wait3A_83 = arith.constant 0 : i32
        %dma_wait3A_84 = tpu.memref_slice %arg11[%dma_wait3A_82, %dma_wait3A_83] : memref<10112x8xf32, #tpu.memory_space<vmem_shared>> -> memref<10112x8xf32, #tpu.memory_space<vmem_shared>>
        tpu.wait_indirect_dma semaphore(%run_scoped3A_72 : memref<!tpu.dma_semaphore, #tpu.memory_space<semaphore_mem>>) src(%arg15 : memref<128x8xf32, #tpu.memory_space<vmem>>) dst(%dma_wait3A_84 : memref<10112x8xf32, #tpu.memory_space<vmem_shared>>)
        tpu.yield
      }) : () -> ()
      %add3A_48 = arith.constant 1 : i32
      %add3A_49 = arith.addi %mul3A_27, %add3A_48 : i32
      %dma_wait3A_50 = arith.constant 1 : i32
      %dma_wait3A_51 = arith.constant 1 : i32
      %dma_wait3A_52 = arith.constant 0 : i32
      %dma_wait3A_53 = arith.constant 0 : i32
      %dma_wait3A_54 = tpu.memref_slice %arg14[%dma_wait3A_51, %dma_wait3A_52, %dma_wait3A_53] : memref<2x128x128xf32, #tpu.memory_space<vmem>> -> memref<1x128x128xf32, #tpu.memory_space<vmem>>
      %dma_wait3A_55 = tpu.memref_squeeze %dma_wait3A_54 : memref<1x128x128xf32, #tpu.memory_space<vmem>> -> memref<128x128xf32, #tpu.memory_space<vmem>>
      %dma_wait3A_56 = arith.constant 0 : i32
      %dma_wait3A_57 = tpu.memref_slice %arg12[%dma_wait3A_50, %dma_wait3A_56] : memref<2x128xi32, #tpu.memory_space<vmem>> -> memref<1x128xi32, #tpu.memory_space<vmem>>
      %dma_wait3A_58 = tpu.memref_squeeze %dma_wait3A_57 : memref<1x128xi32, #tpu.memory_space<vmem>> -> memref<128xi32, #tpu.memory_space<vmem>>
      %dma_wait3A_59 = arith.constant 0 : i32
      %dma_wait3A_60 = arith.constant 0 : i32
      %dma_wait3A_61 = tpu.memref_slice %arg2[%dma_wait3A_59, %dma_wait3A_60] : memref<10000x128xf32, #tpu.memory_space<hbm>> -> memref<10000x128xf32, #tpu.memory_space<hbm>>
      tpu.wait_indirect_dma semaphore(%arg17 : memref<!tpu.dma_semaphore, #tpu.memory_space<semaphore_mem>>) src(%dma_wait3A_61 : memref<10000x128xf32, #tpu.memory_space<hbm>>) dst(%dma_wait3A_55 : memref<128x128xf32, #tpu.memory_space<vmem>>)
      %add3A_62 = arith.constant 1 : i32
      %add3A_63 = arith.addi %add3A_49, %add3A_62 : i32
      %lt3A_64 = arith.constant 80 : i32
      %lt3A_65 = arith.cmpi slt, %add3A_63, %lt3A_64 : i32
      %convert_element_type3A_66 = arith.extui %lt3A_65 : i1 to i32
      %cond3A_67 = arith.constant 0 : i32
      %cond3A_68 = arith.cmpi ne, %convert_element_type3A_66, %cond3A_67 : i32
      scf.if %cond3A_68 {
        %add3A_72 = arith.constant 1 : i32
        %add3A_73 = arith.addi %add3A_49, %add3A_72 : i32
        %mul3A_74 = arith.constant 128 : i32
        %mul3A_75 = arith.muli %add3A_73, %mul3A_74 : i32
        %add3A_76 = arith.addi %mul3A_2, %mul3A_75 : i32
        %run_scoped3A_77 = arith.constant 0 : i32
        "tpu.region"() ({
          %run_scoped3A_91 = tpu.sem_alloc : memref<!tpu.dma_semaphore, #tpu.memory_space<semaphore_mem>>
          %dma_start3A_92 = arith.constant 0 : i32
          %dma_start3A_93 = tpu.memref_slice %arg12[%run_scoped3A_77, %dma_start3A_92] : memref<2x128xi32, #tpu.memory_space<vmem>> -> memref<1x128xi32, #tpu.memory_space<vmem>>
          %dma_start3A_94 = tpu.memref_squeeze %dma_start3A_93 : memref<1x128xi32, #tpu.memory_space<vmem>> -> memref<128xi32, #tpu.memory_space<vmem>>
          %dma_start3A_95 = tpu.memref_slice %arg3[%add3A_76] : memref<327680xi32, #tpu.memory_space<hbm>> -> memref<128xi32, #tpu.memory_space<hbm>>
          %dma_start3A_96 = arith.constant 0 : i32
          %dma_start3A_97 = tpu.memref_slice %arg12[%run_scoped3A_77, %dma_start3A_96] : memref<2x128xi32, #tpu.memory_space<vmem>> -> memref<1x128xi32, #tpu.memory_space<vmem>>
          %dma_start3A_98 = tpu.memref_squeeze %dma_start3A_97 : memref<1x128xi32, #tpu.memory_space<vmem>> -> memref<128xi32, #tpu.memory_space<vmem>>
          %dma_start3A_99 = tpu.memref_slice %arg3[%add3A_76] : memref<327680xi32, #tpu.memory_space<hbm>> -> memref<128xi32, #tpu.memory_space<hbm>>
          tpu.enqueue_dma source(%dma_start3A_99 : memref<128xi32, #tpu.memory_space<hbm>>) target(%dma_start3A_98 : memref<128xi32, #tpu.memory_space<vmem>>) target_semaphore(%run_scoped3A_91 : memref<!tpu.dma_semaphore, #tpu.memory_space<semaphore_mem>>)
          %dma_wait3A_100 = arith.constant 0 : i32
          %dma_wait3A_101 = tpu.memref_slice %arg12[%run_scoped3A_77, %dma_wait3A_100] : memref<2x128xi32, #tpu.memory_space<vmem>> -> memref<1x128xi32, #tpu.memory_space<vmem>>
          %dma_wait3A_102 = tpu.memref_squeeze %dma_wait3A_101 : memref<1x128xi32, #tpu.memory_space<vmem>> -> memref<128xi32, #tpu.memory_space<vmem>>
          %dma_wait3A_103 = tpu.memref_slice %arg3[%add3A_76] : memref<327680xi32, #tpu.memory_space<hbm>> -> memref<128xi32, #tpu.memory_space<hbm>>
          %dma_wait3A_104 = arith.constant 0 : i32
          %dma_wait3A_105 = tpu.memref_slice %arg12[%run_scoped3A_77, %dma_wait3A_104] : memref<2x128xi32, #tpu.memory_space<vmem>> -> memref<1x128xi32, #tpu.memory_space<vmem>>
          %dma_wait3A_106 = tpu.memref_squeeze %dma_wait3A_105 : memref<1x128xi32, #tpu.memory_space<vmem>> -> memref<128xi32, #tpu.memory_space<vmem>>
          %dma_wait3A_107 = tpu.memref_slice %arg3[%add3A_76] : memref<327680xi32, #tpu.memory_space<hbm>> -> memref<128xi32, #tpu.memory_space<hbm>>
          tpu.wait_dma2 semaphore(%run_scoped3A_91 : memref<!tpu.dma_semaphore, #tpu.memory_space<semaphore_mem>>) src(%dma_wait3A_107 : memref<128xi32, #tpu.memory_space<hbm>>) dst(%dma_wait3A_106 : memref<128xi32, #tpu.memory_space<vmem>>)
          tpu.yield
        }) : () -> ()
        %run_scoped3A_78 = arith.constant 0 : i32
        "tpu.region"() ({
          %run_scoped3A_91 = tpu.sem_alloc : memref<!tpu.dma_semaphore, #tpu.memory_space<semaphore_mem>>
          %dma_start3A_92 = arith.constant 0 : i32
          %dma_start3A_93 = tpu.memref_slice %arg13[%run_scoped3A_78, %dma_start3A_92] : memref<2x128xi32, #tpu.memory_space<vmem>> -> memref<1x128xi32, #tpu.memory_space<vmem>>
          %dma_start3A_94 = tpu.memref_squeeze %dma_start3A_93 : memref<1x128xi32, #tpu.memory_space<vmem>> -> memref<128xi32, #tpu.memory_space<vmem>>
          %dma_start3A_95 = tpu.memref_slice %arg4[%add3A_76] : memref<327680xi32, #tpu.memory_space<hbm>> -> memref<128xi32, #tpu.memory_space<hbm>>
          %dma_start3A_96 = arith.constant 0 : i32
          %dma_start3A_97 = tpu.memref_slice %arg13[%run_scoped3A_78, %dma_start3A_96] : memref<2x128xi32, #tpu.memory_space<vmem>> -> memref<1x128xi32, #tpu.memory_space<vmem>>
          %dma_start3A_98 = tpu.memref_squeeze %dma_start3A_97 : memref<1x128xi32, #tpu.memory_space<vmem>> -> memref<128xi32, #tpu.memory_space<vmem>>
          %dma_start3A_99 = tpu.memref_slice %arg4[%add3A_76] : memref<327680xi32, #tpu.memory_space<hbm>> -> memref<128xi32, #tpu.memory_space<hbm>>
          tpu.enqueue_dma source(%dma_start3A_99 : memref<128xi32, #tpu.memory_space<hbm>>) target(%dma_start3A_98 : memref<128xi32, #tpu.memory_space<vmem>>) target_semaphore(%run_scoped3A_91 : memref<!tpu.dma_semaphore, #tpu.memory_space<semaphore_mem>>)
          %dma_wait3A_100 = arith.constant 0 : i32
          %dma_wait3A_101 = tpu.memref_slice %arg13[%run_scoped3A_78, %dma_wait3A_100] : memref<2x128xi32, #tpu.memory_space<vmem>> -> memref<1x128xi32, #tpu.memory_space<vmem>>
          %dma_wait3A_102 = tpu.memref_squeeze %dma_wait3A_101 : memref<1x128xi32, #tpu.memory_space<vmem>> -> memref<128xi32, #tpu.memory_space<vmem>>
          %dma_wait3A_103 = tpu.memref_slice %arg4[%add3A_76] : memref<327680xi32, #tpu.memory_space<hbm>> -> memref<128xi32, #tpu.memory_space<hbm>>
          %dma_wait3A_104 = arith.constant 0 : i32
          %dma_wait3A_105 = tpu.memref_slice %arg13[%run_scoped3A_78, %dma_wait3A_104] : memref<2x128xi32, #tpu.memory_space<vmem>> -> memref<1x128xi32, #tpu.memory_space<vmem>>
          %dma_wait3A_106 = tpu.memref_squeeze %dma_wait3A_105 : memref<1x128xi32, #tpu.memory_space<vmem>> -> memref<128xi32, #tpu.memory_space<vmem>>
          %dma_wait3A_107 = tpu.memref_slice %arg4[%add3A_76] : memref<327680xi32, #tpu.memory_space<hbm>> -> memref<128xi32, #tpu.memory_space<hbm>>
          tpu.wait_dma2 semaphore(%run_scoped3A_91 : memref<!tpu.dma_semaphore, #tpu.memory_space<semaphore_mem>>) src(%dma_wait3A_107 : memref<128xi32, #tpu.memory_space<hbm>>) dst(%dma_wait3A_106 : memref<128xi32, #tpu.memory_space<vmem>>)
          tpu.yield
        }) : () -> ()
        %dma_start3A_79 = arith.constant 0 : i32
        %dma_start3A_80 = arith.constant 0 : i32
        %dma_start3A_81 = arith.constant 0 : i32
        %dma_start3A_82 = arith.constant 0 : i32
        %dma_start3A_83 = tpu.memref_slice %arg14[%dma_start3A_80, %dma_start3A_81, %dma_start3A_82] : memref<2x128x128xf32, #tpu.memory_space<vmem>> -> memref<1x128x128xf32, #tpu.memory_space<vmem>>
        %dma_start3A_84 = tpu.memref_squeeze %dma_start3A_83 : memref<1x128x128xf32, #tpu.memory_space<vmem>> -> memref<128x128xf32, #tpu.memory_space<vmem>>
        %dma_start3A_85 = arith.constant 0 : i32
        %dma_start3A_86 = tpu.memref_slice %arg12[%dma_start3A_79, %dma_start3A_85] : memref<2x128xi32, #tpu.memory_space<vmem>> -> memref<1x128xi32, #tpu.memory_space<vmem>>
        %dma_start3A_87 = tpu.memref_squeeze %dma_start3A_86 : memref<1x128xi32, #tpu.memory_space<vmem>> -> memref<128xi32, #tpu.memory_space<vmem>>
        %dma_start3A_88 = arith.constant 0 : i32
        %dma_start3A_89 = arith.constant 0 : i32
        %dma_start3A_90 = tpu.memref_slice %arg2[%dma_start3A_88, %dma_start3A_89] : memref<10000x128xf32, #tpu.memory_space<hbm>> -> memref<10000x128xf32, #tpu.memory_space<hbm>>
        tpu.enqueue_indirect_dma source(%dma_start3A_90 : memref<10000x128xf32, #tpu.memory_space<hbm>>) target(%dma_start3A_84 : memref<128x128xf32, #tpu.memory_space<vmem>>) offsets(%dma_start3A_87 : memref<128xi32, #tpu.memory_space<vmem>>) semaphore(%arg16 : memref<!tpu.dma_semaphore, #tpu.memory_space<semaphore_mem>>)
      } else {
      }
      %run_scoped3A_69 = arith.constant 1 : i32
      %run_scoped3A_70 = arith.constant 1 : i32
      "tpu.region"() ({
        %run_scoped3A_72 = tpu.sem_alloc : memref<!tpu.dma_semaphore, #tpu.memory_space<semaphore_mem>>
        %dma_start3A_73 = arith.constant 0 : i32
        %dma_start3A_74 = arith.constant 0 : i32
        %dma_start3A_75 = tpu.memref_slice %arg14[%run_scoped3A_69, %dma_start3A_73, %dma_start3A_74] : memref<2x128x128xf32, #tpu.memory_space<vmem>> -> memref<1x128x128xf32, #tpu.memory_space<vmem>>
        %dma_start3A_76 = tpu.memref_squeeze %dma_start3A_75 : memref<1x128x128xf32, #tpu.memory_space<vmem>> -> memref<128x128xf32, #tpu.memory_space<vmem>>
        %dma_start3A_77 = arith.constant 0 : i32
        %dma_start3A_78 = tpu.memref_slice %arg13[%run_scoped3A_70, %dma_start3A_77] : memref<2x128xi32, #tpu.memory_space<vmem>> -> memref<1x128xi32, #tpu.memory_space<vmem>>
        %dma_start3A_79 = tpu.memref_squeeze %dma_start3A_78 : memref<1x128xi32, #tpu.memory_space<vmem>> -> memref<128xi32, #tpu.memory_space<vmem>>
        %dma_start3A_80 = arith.constant 0 : i32
        %dma_start3A_81 = arith.constant 0 : i32
        %dma_start3A_82 = tpu.memref_slice %arg10[%dma_start3A_80, %dma_start3A_81] : memref<10112x128xf32, #tpu.memory_space<vmem_shared>> -> memref<10112x128xf32, #tpu.memory_space<vmem_shared>>
        tpu.enqueue_indirect_dma source(%dma_start3A_76 : memref<128x128xf32, #tpu.memory_space<vmem>>) target(%dma_start3A_82 : memref<10112x128xf32, #tpu.memory_space<vmem_shared>>) offsets(%dma_start3A_79 : memref<128xi32, #tpu.memory_space<vmem>>) semaphore(%run_scoped3A_72 : memref<!tpu.dma_semaphore, #tpu.memory_space<semaphore_mem>>) {add = true}
        %dma_wait3A_83 = arith.constant 0 : i32
        %dma_wait3A_84 = arith.constant 0 : i32
        %dma_wait3A_85 = tpu.memref_slice %arg14[%run_scoped3A_69, %dma_wait3A_83, %dma_wait3A_84] : memref<2x128x128xf32, #tpu.memory_space<vmem>> -> memref<1x128x128xf32, #tpu.memory_space<vmem>>
        %dma_wait3A_86 = tpu.memref_squeeze %dma_wait3A_85 : memref<1x128x128xf32, #tpu.memory_space<vmem>> -> memref<128x128xf32, #tpu.memory_space<vmem>>
        %dma_wait3A_87 = arith.constant 0 : i32
        %dma_wait3A_88 = tpu.memref_slice %arg13[%run_scoped3A_70, %dma_wait3A_87] : memref<2x128xi32, #tpu.memory_space<vmem>> -> memref<1x128xi32, #tpu.memory_space<vmem>>
        %dma_wait3A_89 = tpu.memref_squeeze %dma_wait3A_88 : memref<1x128xi32, #tpu.memory_space<vmem>> -> memref<128xi32, #tpu.memory_space<vmem>>
        %dma_wait3A_90 = arith.constant 0 : i32
        %dma_wait3A_91 = arith.constant 0 : i32
        %dma_wait3A_92 = tpu.memref_slice %arg10[%dma_wait3A_90, %dma_wait3A_91] : memref<10112x128xf32, #tpu.memory_space<vmem_shared>> -> memref<10112x128xf32, #tpu.memory_space<vmem_shared>>
        tpu.wait_indirect_dma semaphore(%run_scoped3A_72 : memref<!tpu.dma_semaphore, #tpu.memory_space<semaphore_mem>>) src(%dma_wait3A_86 : memref<128x128xf32, #tpu.memory_space<vmem>>) dst(%dma_wait3A_92 : memref<10112x128xf32, #tpu.memory_space<vmem_shared>>)
        tpu.yield
      }) : () -> ()
      %run_scoped3A_71 = arith.constant 1 : i32
      "tpu.region"() ({
        %run_scoped3A_72 = tpu.sem_alloc : memref<!tpu.dma_semaphore, #tpu.memory_space<semaphore_mem>>
        %dma_start3A_73 = arith.constant 0 : i32
        %dma_start3A_74 = tpu.memref_slice %arg13[%run_scoped3A_71, %dma_start3A_73] : memref<2x128xi32, #tpu.memory_space<vmem>> -> memref<1x128xi32, #tpu.memory_space<vmem>>
        %dma_start3A_75 = tpu.memref_squeeze %dma_start3A_74 : memref<1x128xi32, #tpu.memory_space<vmem>> -> memref<128xi32, #tpu.memory_space<vmem>>
        %dma_start3A_76 = arith.constant 0 : i32
        %dma_start3A_77 = arith.constant 0 : i32
        %dma_start3A_78 = tpu.memref_slice %arg11[%dma_start3A_76, %dma_start3A_77] : memref<10112x8xf32, #tpu.memory_space<vmem_shared>> -> memref<10112x8xf32, #tpu.memory_space<vmem_shared>>
        tpu.enqueue_indirect_dma source(%arg15 : memref<128x8xf32, #tpu.memory_space<vmem>>) target(%dma_start3A_78 : memref<10112x8xf32, #tpu.memory_space<vmem_shared>>) offsets(%dma_start3A_75 : memref<128xi32, #tpu.memory_space<vmem>>) semaphore(%run_scoped3A_72 : memref<!tpu.dma_semaphore, #tpu.memory_space<semaphore_mem>>) {add = true}
        %dma_wait3A_79 = arith.constant 0 : i32
        %dma_wait3A_80 = tpu.memref_slice %arg13[%run_scoped3A_71, %dma_wait3A_79] : memref<2x128xi32, #tpu.memory_space<vmem>> -> memref<1x128xi32, #tpu.memory_space<vmem>>
        %dma_wait3A_81 = tpu.memref_squeeze %dma_wait3A_80 : memref<1x128xi32, #tpu.memory_space<vmem>> -> memref<128xi32, #tpu.memory_space<vmem>>
        %dma_wait3A_82 = arith.constant 0 : i32
        %dma_wait3A_83 = arith.constant 0 : i32
        %dma_wait3A_84 = tpu.memref_slice %arg11[%dma_wait3A_82, %dma_wait3A_83] : memref<10112x8xf32, #tpu.memory_space<vmem_shared>> -> memref<10112x8xf32, #tpu.memory_space<vmem_shared>>
        tpu.wait_indirect_dma semaphore(%run_scoped3A_72 : memref<!tpu.dma_semaphore, #tpu.memory_space<semaphore_mem>>) src(%arg15 : memref<128x8xf32, #tpu.memory_space<vmem>>) dst(%dma_wait3A_84 : memref<10112x8xf32, #tpu.memory_space<vmem_shared>>)
        tpu.yield
      }) : () -> ()
    }
    %scan3A_23 = arith.constant 40 : i32
    %barrier3A_24 = arith.constant 0 : index
    tpu.barrier barrier_id(%barrier3A_24)
    "tpu.region"() ({
      %run_scoped3A_25 = tpu.sem_alloc : memref<!tpu.dma_semaphore, #tpu.memory_space<semaphore_mem>>
      %dma_start3A_26 = arith.constant 0 : i32
      %dma_start3A_27 = tpu.memref_slice %arg8[%arg0, %mul3A_4, %dma_start3A_26] : memref<2x10112x128xf32, #tpu.memory_space<hbm>> -> memref<1x632x128xf32, #tpu.memory_space<hbm>>
      %dma_start3A_28 = tpu.memref_squeeze %dma_start3A_27 : memref<1x632x128xf32, #tpu.memory_space<hbm>> -> memref<632x128xf32, #tpu.memory_space<hbm>>
      %dma_start3A_29 = arith.constant 0 : i32
      %dma_start3A_30 = tpu.memref_slice %arg10[%mul3A_4, %dma_start3A_29] : memref<10112x128xf32, #tpu.memory_space<vmem_shared>> -> memref<632x128xf32, #tpu.memory_space<vmem_shared>>
      tpu.enqueue_dma source(%dma_start3A_30 : memref<632x128xf32, #tpu.memory_space<vmem_shared>>) target(%dma_start3A_28 : memref<632x128xf32, #tpu.memory_space<hbm>>) target_semaphore(%run_scoped3A_25 : memref<!tpu.dma_semaphore, #tpu.memory_space<semaphore_mem>>)
      %dma_wait3A = arith.constant 0 : i32
      %dma_wait3A_31 = tpu.memref_slice %arg8[%arg0, %mul3A_4, %dma_wait3A] : memref<2x10112x128xf32, #tpu.memory_space<hbm>> -> memref<1x632x128xf32, #tpu.memory_space<hbm>>
      %dma_wait3A_32 = tpu.memref_squeeze %dma_wait3A_31 : memref<1x632x128xf32, #tpu.memory_space<hbm>> -> memref<632x128xf32, #tpu.memory_space<hbm>>
      %dma_wait3A_33 = arith.constant 0 : i32
      %dma_wait3A_34 = tpu.memref_slice %arg10[%mul3A_4, %dma_wait3A_33] : memref<10112x128xf32, #tpu.memory_space<vmem_shared>> -> memref<632x128xf32, #tpu.memory_space<vmem_shared>>
      tpu.wait_dma2 semaphore(%run_scoped3A_25 : memref<!tpu.dma_semaphore, #tpu.memory_space<semaphore_mem>>) src(%dma_wait3A_34 : memref<632x128xf32, #tpu.memory_space<vmem_shared>>) dst(%dma_wait3A_32 : memref<632x128xf32, #tpu.memory_space<hbm>>)
      tpu.yield
    }) : () -> ()
    "tpu.region"() ({
      %run_scoped3A_25 = tpu.sem_alloc : memref<!tpu.dma_semaphore, #tpu.memory_space<semaphore_mem>>
      %dma_start3A_26 = arith.constant 0 : i32
      %dma_start3A_27 = tpu.memref_slice %arg9[%arg0, %mul3A_4, %dma_start3A_26] : memref<2x10112x8xf32, #tpu.memory_space<hbm>> -> memref<1x632x8xf32, #tpu.memory_space<hbm>>
      %dma_start3A_28 = tpu.memref_squeeze %dma_start3A_27 : memref<1x632x8xf32, #tpu.memory_space<hbm>> -> memref<632x8xf32, #tpu.memory_space<hbm>>
      %dma_start3A_29 = arith.constant 0 : i32
      %dma_start3A_30 = tpu.memref_slice %arg11[%mul3A_4, %dma_start3A_29] : memref<10112x8xf32, #tpu.memory_space<vmem_shared>> -> memref<632x8xf32, #tpu.memory_space<vmem_shared>>
      tpu.enqueue_dma source(%dma_start3A_30 : memref<632x8xf32, #tpu.memory_space<vmem_shared>>) target(%dma_start3A_28 : memref<632x8xf32, #tpu.memory_space<hbm>>) target_semaphore(%run_scoped3A_25 : memref<!tpu.dma_semaphore, #tpu.memory_space<semaphore_mem>>)
      %dma_wait3A = arith.constant 0 : i32
      %dma_wait3A_31 = tpu.memref_slice %arg9[%arg0, %mul3A_4, %dma_wait3A] : memref<2x10112x8xf32, #tpu.memory_space<hbm>> -> memref<1x632x8xf32, #tpu.memory_space<hbm>>
      %dma_wait3A_32 = tpu.memref_squeeze %dma_wait3A_31 : memref<1x632x8xf32, #tpu.memory_space<hbm>> -> memref<632x8xf32, #tpu.memory_space<hbm>>
      %dma_wait3A_33 = arith.constant 0 : i32
      %dma_wait3A_34 = tpu.memref_slice %arg11[%mul3A_4, %dma_wait3A_33] : memref<10112x8xf32, #tpu.memory_space<vmem_shared>> -> memref<632x8xf32, #tpu.memory_space<vmem_shared>>
      tpu.wait_dma2 semaphore(%run_scoped3A_25 : memref<!tpu.dma_semaphore, #tpu.memory_space<semaphore_mem>>) src(%dma_wait3A_34 : memref<632x8xf32, #tpu.memory_space<vmem_shared>>) dst(%dma_wait3A_32 : memref<632x8xf32, #tpu.memory_space<hbm>>)
      tpu.yield
    }) : () -> ()
    return
  }
}

module attributes {stable_mosaic.version = 14 : i64} {
  func.func @body(%arg0: i32, %arg1: memref<2x1000x128xf32, #tpu.memory_space<vmem>>, %arg2: memref<2x1000x8xf32, #tpu.memory_space<vmem>>, %arg3: memref<128x128xf32, #tpu.memory_space<vmem>>, %arg4: memref<1x128xf32, #tpu.memory_space<vmem>>, %arg5: memref<1000x128xf32, #tpu.memory_space<vmem>>) attributes {dimension_semantics = [#tpu.dimension_semantics<arbitrary>], iteration_bounds = array<i64: 10>, scalar_prefetch = 0 : i64, scratch_operands = 0 : i64, tpu.core_type = #tpu.core_type<tc>, window_params = [{transform_indices = @transform_0, window_bounds = array<i64: 2, 1000, 128>}, {transform_indices = @transform_1, window_bounds = array<i64: 2, 1000, 8>}, {pipeline_mode = #tpu.pipeline_mode<synchronous>, transform_indices = @transform_2, window_bounds = array<i64: 128, 128>}, {pipeline_mode = #tpu.pipeline_mode<synchronous>, transform_indices = @transform_3, window_bounds = array<i64: 1, 128>}, {transform_indices = @transform_4, window_bounds = array<i64: 1000, 128>}]} {
    %get3A = arith.constant 0 : index
    %get3A_0 = arith.constant 0 : index
    %get3A_1 = arith.constant 0 : index
    %get3A_2 = vector.load %arg1[%get3A, %get3A_0, %get3A_1] : memref<2x1000x128xf32, #tpu.memory_space<vmem>>, vector<1x1000x128xf32>
    %get3A_3 = vector.shape_cast %get3A_2 : vector<1x1000x128xf32> to vector<1000x128xf32>
    %get3A_4 = arith.constant 1 : index
    %get3A_5 = arith.constant 0 : index
    %get3A_6 = arith.constant 0 : index
    %get3A_7 = vector.load %arg1[%get3A_4, %get3A_5, %get3A_6] : memref<2x1000x128xf32, #tpu.memory_space<vmem>>, vector<1x1000x128xf32>
    %get3A_8 = vector.shape_cast %get3A_7 : vector<1x1000x128xf32> to vector<1000x128xf32>
    %add3A = arith.addf %get3A_3, %get3A_8 : vector<1000x128xf32>
    %get3A_9 = arith.constant 0 : index
    %get3A_10 = arith.constant 0 : index
    %get3A_11 = arith.constant 0 : index
    %get3A_12 = vector.load %arg2[%get3A_9, %get3A_10, %get3A_11] : memref<2x1000x8xf32, #tpu.memory_space<vmem>>, vector<1x1000x8xf32>
    %get3A_13 = vector.shape_cast %get3A_12 : vector<1x1000x8xf32> to vector<1000x8xf32>
    %get3A_14 = arith.constant 1 : index
    %get3A_15 = arith.constant 0 : index
    %get3A_16 = arith.constant 0 : index
    %get3A_17 = vector.load %arg2[%get3A_14, %get3A_15, %get3A_16] : memref<2x1000x8xf32, #tpu.memory_space<vmem>>, vector<1x1000x8xf32>
    %get3A_18 = vector.shape_cast %get3A_17 : vector<1x1000x8xf32> to vector<1000x8xf32>
    %add3A_19 = arith.addf %get3A_13, %get3A_18 : vector<1000x8xf32>
    %slice3A = vector.extract_strided_slice %add3A_19 {offsets = [0, 0], sizes = [1000, 1], strides = [1, 1]} : vector<1000x8xf32> to vector<1000x1xf32>
    %max3A = arith.constant 1.000000e+00 : f32
    %max3A_20 = vector.broadcast %max3A : f32 to vector<1000x1xf32>
    %max3A_21 = arith.maximumf %slice3A, %max3A_20 : vector<1000x1xf32>
    %div3A = vector.broadcast %max3A_21 : vector<1000x1xf32> to vector<1000x128xf32>
    %div3A_22 = arith.divf %add3A, %div3A : vector<1000x128xf32>
    %get3A_23 = arith.constant 0 : index
    %get3A_24 = arith.constant 0 : index
    %get3A_25 = vector.load %arg3[%get3A_23, %get3A_24] : memref<128x128xf32, #tpu.memory_space<vmem>>, vector<128x128xf32>
    %dot_general3A = arith.constant dense<0.000000e+00> : vector<1000x128xf32>
    %dot_general3A_26 = tpu.matmul %div3A_22, %get3A_25, %dot_general3A {dimension_numbers = #tpu.dot_dimension_numbers<[1], [0], [0], [1], [0, 0, 1, 1], [], []>, transpose_lhs_hint = false} : vector<1000x128xf32>, vector<128x128xf32>, vector<1000x128xf32> -> vector<1000x128xf32>
    %get3A_27 = arith.constant 0 : index
    %get3A_28 = arith.constant 0 : index
    %get3A_29 = vector.load %arg4[%get3A_27, %get3A_28] : memref<1x128xf32, #tpu.memory_space<vmem>>, vector<1x128xf32>
    %add3A_30 = vector.broadcast %get3A_29 : vector<1x128xf32> to vector<1000x128xf32>
    %add3A_31 = arith.addf %dot_general3A_26, %add3A_30 : vector<1000x128xf32>
    %swap3A = arith.constant 0 : index
    %swap3A_32 = arith.constant 0 : index
    %swap3A_33 = vector.load %arg5[%swap3A, %swap3A_32] : memref<1000x128xf32, #tpu.memory_space<vmem>>, vector<1000x128xf32>
    tpu.vector_store %arg5[%swap3A, %swap3A_32], %add3A_31 {strides = array<i32>} : memref<1000x128xf32, #tpu.memory_space<vmem>>, vector<1000x128xf32>,
    return
  }
  func.func @transform_0(%arg0: i32) -> (i32, i32, i32) {
    %c0_i32 = arith.constant 0 : i32
    %c0_i32_0 = arith.constant 0 : i32
    %c0_i32_1 = arith.constant 0 : i32
    return %c0_i32, %arg0, %c0_i32_0 : i32, i32, i32
  }
  func.func @transform_1(%arg0: i32) -> (i32, i32, i32) {
    %c0_i32 = arith.constant 0 : i32
    %c0_i32_0 = arith.constant 0 : i32
    %c0_i32_1 = arith.constant 0 : i32
    return %c0_i32, %arg0, %c0_i32_0 : i32, i32, i32
  }
  func.func @transform_2(%arg0: i32) -> (i32, i32) {
    %c0_i32 = arith.constant 0 : i32
    %c0_i32_0 = arith.constant 0 : i32
    %c0_i32_1 = arith.constant 0 : i32
    return %c0_i32, %c0_i32_0 : i32, i32
  }
  func.func @transform_3(%arg0: i32) -> (i32, i32) {
    %c0_i32 = arith.constant 0 : i32
    %c0_i32_0 = arith.constant 0 : i32
    %c0_i32_1 = arith.constant 0 : i32
    return %c0_i32, %c0_i32_0 : i32, i32
  }
  func.func @transform_4(%arg0: i32) -> (i32, i32) {
    %c0_i32 = arith.constant 0 : i32
    %c0_i32_0 = arith.constant 0 : i32
    return %arg0, %c0_i32 : i32, i32
  }
}

</mosaic_0001>

<sc_bundles>
// kernel: kernel.4.cloned.1.call-start
scs
__scs_entry_jumppad:
0x0: {  	(pc) =	sbr.rel $0x88, $3  }
0x1: {  	(tag) =	ssettag $0x0;
	lr =	simm.s32 $0x1  }
0x2: {  	[smem:$0x3F9D] =	sst lr;
	_ =	strace $0xD0000000  }
0x3: {  	_ = 	snop  }
0x4: {  	_ = 	snop  }
0x5: {  	_ = 	snop  }
0x6: {  	_ = 	snop  }
0x7: {  	_ = 	snop  }
__scs_overlays_trampoline_lowered:
0x8: {  	[smem:$0x3FAC] =	sst s0  }
0x9: {  	[smem:$0x3FAD] =	sst s1  }
0xa: {  	[smem:$0x3FAE] =	sst s2  }
0xb: {  	[smem:$0x3FAF] =	sst s3  }
0xc: {  	[smem:$0x3FB0] =	sst s4  }
0xd: {  	[smem:$0x3FB1] =	sst s5  }
0xe: {  	[smem:$0x3FB2] =	sst s6  }
0xf: {  	[smem:$0x3FB3] =	sst s7  }
0x10: {  	[smem:$0x3FB4] =	sst s8  }
0x11: {  	[smem:$0x3FB5] =	sst s9;
	s0 =	simm.s32 @!p0 $0x0  }
0x12: {  	s1 =	sld [smem:$0x3F9B];
	s0 =	simm.s32 @p0 $0x1  }
0x13: {  	[smem:$0x3FB6] =	sst s0;
	s0 =	simm.s32 @!p1 $0x0  }
0x14: {  	s2 =	sld [smem:$0x3F9A];
	s0 =	simm.s32 @p1 $0x1  }
0x15: {  	[smem:$0x3FB7] =	sst s0;
	s0 =	simm.s32 @!p2 $0x0  }
0x16: {  	s3 =	sld [smem:$0x3FDB];
	s0 =	simm.s32 @p2 $0x1  }
0x17: {  	s4 =	simm.s32 $0x1BF5;
	[smem:$0x3FB9] =	sst s0  }
0x18: {  	s0 =	sld [smem:$0x3F9C];
	_ =	swait.ge [sflag:s4], $0x0  }
0x19: {  	s7 =	sld [smem:$0x3F9D]  }
0x1a: {  	s8 =	sadd.s32 $0xFFFFE003, lr  }
0x1b: {  	s9 =	sadd.s32 $0xFFFFFEF7, lr;
	s5 =	simm.s32 $0xFFFFFFFF;
	p2 =	slt.u32 s8, $0xFFFFF086  }
0x1c: {  	p1 =	slt.u32 s9, $0xF7A;
	s5 =	simm.s32 @!p2 $0x0  }
0x1d: {  	s5 =	simm.s32 @p1 $0x1;
	p0 =	seq.s32 s7, s2  }
0x1e: {  	s7 =	smul.u32 @!p0 $0xF7A, s2;
	p2 =	seq.s32 @!p0 s5, $0x0  }
0x1f: {  	s9 =	smul.u32 $0xF7A, s1;
	s8 =	simm.s32 @!p0 $0x1BF5;
	p2 =	por !p2, p0  }
0x20: {  	[sflag:s8] =	ssyncset.s32 @!p0 $0xFFFFF086;
	s6 =	sadd.s32 @!p0 s3, s7;
	s7 =	simm.s32 @!p0 $0x108  }
0x21: {  	s3 =	sadd.s32 s3, s9;
	s6 =	sadd.s32 @!p0 $0x88, s6;
	s7 =	simm.s32 @p2 $0x1082  }
0x22: {  	[simem:s7], [sflag:s8] =	dma.local @!p0 [hbm:s6], $0xF7A  }
0x23: {  	s9 =	sor.u32 $0xD0000000, s2;
	s6 =	simm.s32 $0x108;
	_ =	swait.ge @!p0 [sflag:s8], $0x0  }
0x24: {  	s3 =	sadd.s32 $0x88, s3;
	s6 =	simm.s32 @!p1 $0x1082;
	[sflag:s4] =	ssyncset.s32 $0xFFFFF086  }
0x25: {  	[simem:s6], [sflag:s4] =	dma.local [hbm:s3], $0xF7A  }
0x26: {  	[smem:$0x3F9D] =	sst s1;
	(tag) =	ssettag s2;
	_ =	strace s9  }
0x27: {  	s1 =	sld [smem:$0x3FAD]  }
0x28: {  	s2 =	sld [smem:$0x3FAE]  }
0x29: {  	s4 =	sld [smem:$0x3FB0]  }
0x2a: {  	p0 =	seq.s32 s5, $0x0;
	s5 =	sld [smem:$0x3FB1]  }
0x2b: {  	s6 =	sld [smem:$0x3FB2]  }
0x2c: {  	s7 =	sld [smem:$0x3FB3]  }
0x2d: {  	s3 =	simm.s32 $0x108;
	s8 =	sld [smem:$0x3FB4]  }
0x2e: {  	s3 =	simm.s32 @!p0 $0x1082;
	s9 =	sld [smem:$0x3FB5]  }
0x2f: {  	lr =	sadd.s32 s0, s3;
	s0 =	sld [smem:$0x3FAC]  }
0x30: {  	s3 =	sld [smem:$0x3FAF]  }
0x31: {  	[smem:$0x3FB8] =	sst s10  }
0x32: {  	s10 =	sld [smem:$0x3FB6];
	_ =	sdelay $0x3  }
0x33: {  	p0 =	seq.s32 s10, $0x1;
	s10 =	sld [smem:$0x3FB8];
	_ =	sdelay $0x3  }
0x34: {  	[smem:$0x3FB8] =	sst s10  }
0x35: {  	s10 =	sld [smem:$0x3FB7];
	_ =	sdelay $0x3  }
0x36: {  	p1 =	seq.s32 s10, $0x1;
	s10 =	sld [smem:$0x3FB8];
	_ =	sdelay $0x3  }
0x37: {  	[smem:$0x3FB8] =	sst s10  }
0x38: {  	s10 =	sld [smem:$0x3FB9]  }
0x39: {  	_ = 	snop;
	(pc) =	sbr.ind lr, $3  }
0x3a: {  	_ = 	snop  }
0x3b: {  	_ = 	snop  }
0x3c: {  	p2 =	seq.s32 s10, $0x1;
	s10 =	sld [smem:$0x3FB8]  }
0x3d: {  	_ =	shalt  }
0x3e: {  	_ =	shalt  }
0x3f: {  	_ =	shalt  }
0x40: {  	_ =	shalt  }
0x41: {  	_ =	shalt  }
0x42: {  	_ =	shalt  }
0x43: {  	_ =	shalt  }
0x44: {  	_ =	shalt  }
0x45: {  	_ =	shalt  }
0x46: {  	_ =	shalt  }
0x47: {  	_ =	shalt  }
0x48: {  	_ =	shalt  }
0x49: {  	_ =	shalt  }
0x4a: {  	_ =	shalt  }
0x4b: {  	_ =	shalt  }
0x4c: {  	_ =	shalt  }
0x4d: {  	_ =	shalt  }
0x4e: {  	_ =	shalt  }
0x4f: {  	_ =	shalt  }
0x50: {  	_ =	shalt  }
0x51: {  	_ =	shalt  }
0x52: {  	_ =	shalt  }
0x53: {  	_ =	shalt  }
0x54: {  	_ =	shalt  }
0x55: {  	_ =	shalt  }
0x56: {  	_ =	shalt  }
0x57: {  	_ =	shalt  }
0x58: {  	_ =	shalt  }
0x59: {  	_ =	shalt  }
0x5a: {  	_ =	shalt  }
0x5b: {  	_ =	shalt  }
0x5c: {  	_ =	shalt  }
0x5d: {  	_ =	shalt  }
0x5e: {  	_ =	shalt  }
0x5f: {  	_ =	shalt  }
0x60: {  	_ =	shalt  }
0x61: {  	_ =	shalt  }
0x62: {  	_ =	shalt  }
0x63: {  	_ =	shalt  }
0x64: {  	_ =	shalt  }
0x65: {  	_ =	shalt  }
0x66: {  	_ =	shalt  }
0x67: {  	_ =	shalt  }
0x68: {  	_ =	shalt  }
0x69: {  	_ =	shalt  }
0x6a: {  	_ =	shalt  }
0x6b: {  	_ =	shalt  }
0x6c: {  	_ =	shalt  }
0x6d: {  	_ =	shalt  }
0x6e: {  	_ =	shalt  }
0x6f: {  	_ =	shalt  }
0x70: {  	_ =	shalt  }
0x71: {  	_ =	shalt  }
0x72: {  	_ =	shalt  }
0x73: {  	_ =	shalt  }
0x74: {  	_ =	shalt  }
0x75: {  	_ =	shalt  }
0x76: {  	_ =	shalt  }
0x77: {  	_ =	shalt  }
0x78: {  	_ =	shalt  }
0x79: {  	_ =	shalt  }
0x7a: {  	_ =	shalt  }
0x7b: {  	_ =	shalt  }
0x7c: {  	_ =	shalt  }
0x7d: {  	_ =	shalt  }
0x7e: {  	_ =	shalt  }
0x7f: {  	_ =	shalt  }
0x80: {  	_ =	shalt  }
0x81: {  	_ =	shalt  }
0x82: {  	_ =	shalt  }
0x83: {  	_ =	shalt  }
0x84: {  	_ =	shalt  }
0x85: {  	_ =	shalt  }
0x86: {  	_ =	shalt  }
0x87: {  	_ =	shalt  }
.Lfunc_end0:
.L_simem_size_0:
called_computation_lowered:
.L_overlay_start_0:
0x88: {  	s2 =	sld [smem:$0x3FD9]  }
0x89: {  	s3 =	sld [smem:$0x3FFE];
	_ =	sdelay $0x1  }
0x8a: {  	s1 =	srdreg.scid  }
0x8b: {  	s0 =	sand.u32 $0x1, s1  }
0x8c: {  	s17 =	sshll.u32 s0, $0xA;
	s2 =	sadd.s32 s3, s2  }
0x8d: {  	s2 =	sadd.s32 s2, s17  }
0x8e: {  	[smem:$0x3FC4] =	sst s2  }
0x8f: {  	_ = 	snop  }
0x90: {  	s2 =	sld [smem:$0x3FC9]  }
0x91: {  	s18 =	sld [smem:$0x3FD0];
	(tm) =	ssettm $0x1  }
0x92: {  	s4 =	sld [smem:$0x3FFB];
	_ =	sdelay $0x3  }
0x93: {  	_ =	strace s4  }
0x94: {  	s4 =	sld [smem:$0x3FFC];
	_ =	sdelay $0x3  }
0x95: {  	_ =	strace s4  }
0x96: {  	s4 =	sld [smem:$0x3FFD];
	_ =	sdelay $0x3  }
0x97: {  	_ =	strace s4  }
0x98: {  	_ =	strace $0x8FFFFFFF  }
0x99: {  	s19 =	sld [smem:$0x3FDB];
	_ =	sdelay $0x1  }
0x9a: {  	s5 =	simm.s32 $_scs_section_size  }
0x9b: {  	s6 =	simm.s32 $_size__tile_overlayer_lowered;
	s7 =	simm.s32 $_tile_overlayer_lowered  }
0x9c: {  	s22 =	simm.s32 $0x1BFF;
	s21 =	sshll.u32 s7, $0x1;
	s4 =	sadd.s32 s5, s19  }
0x9d: {  	s8 =	simm.s32 $0x0;
	s20 =	sshll.u32 s6, $0x1;
	s6 =	sadd.s32 s21, s4  }
0x9e: {  	[timem:s8], [sflag:s22] =	dma.local [hbm:s6], s20  }
0x9f: {  	_ =	swait.ge [sflag:s22], s20  }
0xa0: {  	s5 =	ssub.s32 $0x0, s20;
	[sflag:s22] =	ssyncset.done $0x0  }
0xa1: {  	[sflag:s22] =	ssyncadd.s32 s5;
	_ =	sdelay $0x1  }
0xa2: {  	s23 =	simm.s32 $0x1B8B  }
0xa3: {  	_ =	swait.ge [sflag:s23], $0x1  }
0xa4: {  	[sflag:s23] =	ssyncset.done $0x0  }
0xa5: {  	s25 =	simm.s32 $0x1B8E;
	s24 =	sld [smem:$0x3FFE];
	[sflag:s23] =	ssyncadd.s32 $0xFFFFFFFF  }
0xa6: {  	s26 =	simm.s32 $execute0_lowered;
	[smem:$0x3FD2] =	sst s25  }
0xa7: {  	s6 =	sshll.u32 s26, $0x1;
	_ =	strace $0x80000046;
	[dreg:$0x1] =	wrdreg $0xFFFFFFFF  }
0xa8: {  	s28 =	simm.s32 $_size_execute0_lowered;
	s4 =	sadd.s32 s4, s6;
	[dreg:$0x0] =	wrdreg $0x0  }
0xa9: {  	s6 =	sshll.u32 s28, $0x1;
	[dreg:$0x2] =	wrdreg s4  }
0xaa: {  	[dreg:$0x3] =	wrdreg s6  }
0xab: {  	[dreg:$0x4] =	wrdreg $0xC0  }
0xac: {  	_ =	task [dreg:s8], $0x5FFFF  }
0xad: {  	[dreg:$0x1] =	wrdreg $0xFFFFFFFF  }
0xae: {  	[dreg:$0x0] =	wrdreg $0x60  }
0xaf: {  	[dreg:$0x2] =	wrdreg s2  }
0xb0: {  	[dreg:$0x3] =	wrdreg s18  }
0xb1: {  	[dreg:$0x4] =	wrdreg s24  }
0xb2: {  	[dreg:$0x5] =	wrdreg $0x0  }
0xb3: {  	[dreg:$0x6] =	wrdreg $0x13C000  }
0xb4: {  	[dreg:$0x7] =	wrdreg $0x9  }
0xb5: {  	_ =	task.clear_ibuf [dreg:s8], $0x8FFFF;
	_ =	strace $0x90000046  }
0xb6: {  	s29 =	simm.s32 $0x9;
	_ =	strace $0x80000048  }
0xb7: {  	_ =	swait.ge [sflag:s29], $0x1  }
0xb8: {  	[sflag:s29] =	ssyncadd.s32 $0xFFFFFFFF  }
0xb9: {  	_ =	strace $0x90000048  }
0xba: {  	_ =	sfence  }
0xbb: {  	s30 =	sld [smem:$0x0];
	_ =	sdelay $0x2  }
0xbc: {  	s31 =	sshll.u32 s1, $0xD;
	s1 =	sshrl.u32 s1, $0x2  }
0xbd: {  	s3 =	sand.u32 $0x4000, s31;
	s1 =	sadd.s32 s1, s30  }
0xbe: {  	s0 =	sor.u32 s3, s0;
	s1 =	sshll.u32 s1, $0x11  }
0xbf: {  	s0 =	sor.u32 s1, s0  }
0xc0: {  	s0 =	sadd.s32 $0x8F2B, s0  }
0xc1: {  	[sflag:s0] =	ssyncadd.remote.s32 $0x1  }
0xc2: {  	_ =	sfence.sel $0xFFFF  }
0xc3: {  	[dreg:$0x0] =	wrdreg $0xFFFFFFFF;
	(pc) =	sbr.abs _section_cstart, $3  }
0xc4: {  	[dreg:$0x1] =	wrdreg $0xFFFFFFFF  }
0xc5: {  	_ =	task.clear_ibuf [dreg:s8], $0x2FFFF;
	_ =	strace $0x9FFFFFFF  }
0xc6: {  	(tm) =	ssettm $0x7FFFFFFF  }
0xc7: {  	_ =	shalt  }
tec
execute0_lowered:
.L_overlay_start_1:
0x0: {  	(tag) =	ssettag $0x1  }
0x1: {  	s1 =	rddreg [dreg:$0x0]  }
0x2: {  	s0 =	rddreg [dreg:$0x1]  }
0x3: {  	s2 =	rddreg [dreg:$0x2]  }
0x4: {  	s3 =	rddreg [dreg:$0x3]  }
0x5: {  	s4 =	rddreg [dreg:$0x4];
	s18 =	stileid.u32  }
0x6: {  	s7 =	srdreg.scid;
	s5 =	simm.s32 $0x0;
	s28 =	simm.s32 $0x80  }
0x7: {  	s29 =	simm.s32 $0x151C0;
	s30 =	simm.s32 $0x1;
	s6 =	smul.u32 $0x13C00, s18  }
0x8: {  	s31 =	simm.s32 $0x15040;
	s8 =	smul.u32 $0x13C0, s18;
	s7 =	sand.u32 $0x1, s7  }
0x9: {  	[smem:$0x7FF] =	sst s5;
	s11 =	sadd.s32 $0x600, s2;
	s21 =	smul.u32 $0x5000, s18  }
0xa: {  	s14 =	sadd.s32 $0xA600, s2;
	s16 =	sshll.u32 s18, $0x1;
	s10 =	smul.u32 $0x13C000, s7  }
0xb: {  	s20 =	sshll.u32 s18, $0x6;
	_ =	strace $0x80000047;
	s13 =	smul.u32 $0x13C00, s7  }
0xc: {  	[dreg:$0x6] =	wrdreg s14;
	s17 =	ssub.s32 $0x2, s7;
	s19 =	sor.u32 s7, s16  }
0xd: {  	s7 =	smul.u32 $0x2800, s7;
	s9 =	sshrl.u32 s6, $0x3;
	s12 =	sshrl.u32 s8, $0x3  }
0xe: {  	s15 =	sshrl.u32 s17, $0x1;
	s9 =	sadd.s32 s9, s2;
	s10 =	sadd.s32 s6, s10  }
0xf: {  	s12 =	sadd.s32 s12, s2;
	s13 =	sadd.s32 s8, s13;
	s17 =	ssub.s32 s17, s15  }
0x10: {  	s6 =	sadd.s32 s6, s3;
	s8 =	sadd.s32 s8, s4;
	s25 =	sadd.s32 s7, s21  }
0x11: {  	s10 =	sshrl.u32 s10, $0x3;
	s13 =	sshrl.u32 s13, $0x3;
	[dreg:$0x7] =	wrdreg s6  }
0x12: {  	s9 =	sadd.s32 $0xD000, s9;
	[dreg:$0x9] =	wrdreg s8;
	s12 =	sadd.s32 $0xA800, s12  }
0x13: {  	s16 =	smax.u32 s17, $0x1;
	s7 =	sor.u32 $0x100, s25;
	s6 =	simm.s32 $0x2  }
0x14: {  	s10 =	sadd.s32 s10, s2;
	s2 =	sadd.s32 s13, s2;
	[dreg:$0x8] =	wrdreg s9  }
0x15: {  	s13 =	smul.u32 $0x2800, s19;
	s9 =	sor.u32 $0x1C03, s20;
	[dreg:$0xa] =	wrdreg s12  }
0x16: {  	s7 =	sshrl.u32 s7, $0x3;
	s14 =	sadd.s32 $0x39800, s10;
	s15 =	sadd.s32 $0x34800, s2  }
0x17: {  	s2 =	sor.u32 $0x80, s25;
	s19 =	sadd.s32 s7, s11;
	s20 =	sadd.s32 s7, s0  }
0x18: {  	s25 =	simm.s32 $0x14FC0;
	s7 =	simm.s32 $0x0;
	s22 =	sshrl.u32 s13, $0x3  }
0x19: {  	s2 =	sshrl.u32 s2, $0x3;
	s23 =	sadd.s32 s0, s22;
	s24 =	sadd.s32 s11, s22  }
0x1a: {  	s26 =	sadd.s32 $0x4F0, s22;
	s21 =	sadd.s32 s2, s11;
	[dreg:$0xb] =	wrdreg s23  }
0x1b: {  	s22 =	sadd.s32 s2, s0;
	s2 =	simm.s32 $0x191C0;
	[dreg:$0xc] =	wrdreg s24  }
0x1c: {  	s17 =	sadd.s32 s0, s26;
	s18 =	sadd.s32 s11, s26;
	s23 =	simm.s32 $0x3  }
0x1d: {  	s24 =	simm.s32 $0x1D1C0;
	s26 =	simm.s32 $0x150C0;
	s0 =	simm.s32 $0x15140  }
.LBB2_1:
0x1e: {  	s8 =	rddreg [dreg:$0x7]  }
0x1f: {  	s10 =	rddreg [dreg:$0x8];
	s8 =	sshrl.u32 s8, $0x3  }
0x20: {  	[spmem:s8], [sflag:s9] =	dma.local [hbm:s10], $0x2780  }
0x21: {  	_ =	swait.ge [sflag:s23], $0x2780  }
0x22: {  	[sflag:s23] =	ssyncset.done $0x0;
	s12 =	rddreg [dreg:$0x9]  }
0x23: {  	s11 =	rddreg [dreg:$0xa];
	[sflag:s23] =	ssyncadd.s32 $0xFFFFD880;
	s10 =	sshrl.u32 s12, $0x3  }
0x24: {  	[spmem:s10], [sflag:s9] =	dma.local [hbm:s11], $0x278  }
0x25: {  	_ =	swait.ge [sflag:s23], $0x278  }
0x26: {  	[sflag:s23] =	ssyncset.done $0x0  }
0x27: {  	s13 =	rddreg [dreg:$0x6];
	[sflag:s23] =	ssyncadd.s32 $0xFFFFFD88  }
0x28: {  	[tilespmem:s24], [sflag:$0x3] =	stream.linear.gather [hbm4b:s13+s5], $0x400, $0x38;
	[tilespmem:$0x1D5C0] =	vst v63  }
0x29: {  	_ =	swait.ge [sflag:s23], $0x400  }
0x2a: {  	[sflag:s23] =	ssyncset.done $0x0  }
0x2b: {  	[sflag:s23] =	ssyncadd.s32 $0xFFFFFC00  }
0x2c: {  	[bflag:$0x0] =	sbarrier.arrive $0xFFFF  }
0x2d: {  	s12 =	rddreg [dreg:$0xb]  }
0x2e: {  	[tilespmem:s25], [sflag:$0x3] =	stream.linear.gather [hbm4b:s12+s5], $0x80, $0x38;
	[tilespmem:$0x1D5C0] =	vst v63  }
0x2f: {  	_ =	swait.ge [sflag:s23], $0x80  }
0x30: {  	[sflag:s23] =	ssyncset.done $0x0  }
0x31: {  	s13 =	rddreg [dreg:$0xc];
	[sflag:s23] =	ssyncadd.s32 $0xFFFFFF80  }
0x32: {  	[tilespmem:s26], [sflag:$0x3] =	stream.linear.gather [hbm4b:s13+s5], $0x80, $0x38;
	[tilespmem:$0x1D5C0] =	vst v63  }
0x33: {  	_ =	swait.ge [sflag:s23], $0x80  }
0x34: {  	[sflag:s23] =	ssyncset.done $0x0  }
0x35: {  	[sflag:s23] =	ssyncadd.s32 $0xFFFFFF80  }
0x36: {  	[tilespmem:s29], [sflag:$0x1] =	stream.indirect.gather [hbm4b:s1+s28], $0x80, s25, s28, $0xb8;
	[tilespmem:$0x1D5C0] =	vst v63  }
0x37: {  	_ =	swait.ge [sflag:s30], $0x4000  }
0x38: {  	[sflag:s30] =	ssyncset.done $0x0  }
0x39: {  	s12 =	sadd.s32 $0x0, s22;
	[sflag:s30] =	ssyncadd.s32 $0xFFFFC000  }
0x3a: {  	[tilespmem:s31], [sflag:$0x3] =	stream.linear.gather [hbm4b:s12+s5], $0x80, $0x38;
	[tilespmem:$0x1D5C0] =	vst v63  }
0x3b: {  	_ =	swait.ge [sflag:s23], $0x80  }
0x3c: {  	[sflag:s23] =	ssyncset.done $0x0  }
0x3d: {  	s13 =	sadd.s32 $0x0, s21;
	[sflag:s23] =	ssyncadd.s32 $0xFFFFFF80  }
0x3e: {  	[tilespmem:s0], [sflag:$0x3] =	stream.linear.gather [hbm4b:s13+s5], $0x80, $0x38;
	[tilespmem:$0x1D5C0] =	vst v63  }
0x3f: {  	_ =	swait.ge [sflag:s23], $0x80  }
0x40: {  	[sflag:s23] =	ssyncset.done $0x0  }
0x41: {  	[sflag:s23] =	ssyncadd.s32 $0xFFFFFF80  }
0x42: {  	[tilespmem:s2], [sflag:$0x2] =	stream.indirect.gather [hbm4b:s1+s28], $0x80, s31, s28, $0xb8;
	[tilespmem:$0x1D5C0] =	vst v63  }
0x43: {  	_ = 	snop  }
0x44: {  	[spmem:s3] =	stream.indirect.scatter.add.f32 [tilespmem:s29], [sflag:$0x3], $0x80, s26, s28, $0xb8;
	[tilespmem:$0x1D5C0] =	vst v63  }
0x45: {  	_ =	swait.ge [sflag:s23], $0x4000  }
0x46: {  	[sflag:s23] =	ssyncset.done $0x0  }
0x47: {  	[sflag:s23] =	ssyncadd.s32 $0xFFFFC000  }
0x48: {  	[spmem:s4] =	stream.indirect.scatter.add.f32 [tilespmem:s24], [sflag:$0x3], $0x8, s26, s28, $0xb8;
	[tilespmem:$0x1D5C0] =	vst v63  }
0x49: {  	_ =	swait.ge [sflag:s23], $0x400  }
0x4a: {  	[sflag:s23] =	ssyncset.done $0x0  }
0x4b: {  	[sflag:s23] =	ssyncadd.s32 $0xFFFFFC00  }
0x4c: {  	_ =	swait.ge [sflag:s6], $0x4000  }
0x4d: {  	[sflag:s6] =	ssyncset.done $0x0  }
0x4e: {  	s12 =	sadd.s32 $0x0, s20;
	[sflag:s6] =	ssyncadd.s32 $0xFFFFC000  }
0x4f: {  	[tilespmem:s25], [sflag:$0x3] =	stream.linear.gather [hbm4b:s12+s5], $0x80, $0x38;
	[tilespmem:$0x1D5C0] =	vst v63  }
0x50: {  	_ =	swait.ge [sflag:s23], $0x80  }
0x51: {  	[sflag:s23] =	ssyncset.done $0x0  }
0x52: {  	s13 =	sadd.s32 $0x0, s19;
	[sflag:s23] =	ssyncadd.s32 $0xFFFFFF80  }
0x53: {  	[tilespmem:s26], [sflag:$0x3] =	stream.linear.gather [hbm4b:s13+s5], $0x80, $0x38;
	[tilespmem:$0x1D5C0] =	vst v63  }
0x54: {  	_ =	swait.ge [sflag:s23], $0x80  }
0x55: {  	[sflag:s23] =	ssyncset.done $0x0  }
0x56: {  	[sflag:s23] =	ssyncadd.s32 $0xFFFFFF80  }
0x57: {  	[tilespmem:s29], [sflag:$0x1] =	stream.indirect.gather [hbm4b:s1+s28], $0x80, s25, s28, $0xb8;
	[tilespmem:$0x1D5C0] =	vst v63  }
0x58: {  	_ = 	snop  }
0x59: {  	[spmem:s3] =	stream.indirect.scatter.add.f32 [tilespmem:s2], [sflag:$0x3], $0x80, s0, s28, $0xb8;
	[tilespmem:$0x1D5C0] =	vst v63  }
0x5a: {  	_ =	swait.ge [sflag:s23], $0x4000  }
0x5b: {  	[sflag:s23] =	ssyncset.done $0x0  }
0x5c: {  	[sflag:s23] =	ssyncadd.s32 $0xFFFFC000  }
0x5d: {  	[spmem:s4] =	stream.indirect.scatter.add.f32 [tilespmem:s24], [sflag:$0x3], $0x8, s0, s28, $0xb8;
	[tilespmem:$0x1D5C0] =	vst v63  }
0x5e: {  	_ =	swait.ge [sflag:s23], $0x400  }
0x5f: {  	s11 =	simm.s32 $0x20;
	[sflag:s23] =	ssyncset.done $0x0  }
.LBB2_2:
0x60: {  	p0 =	sne.s32 s11, $0x4C0  }
0x61: {  	[sflag:s23] =	ssyncadd.s32 $0xFFFFFC00;
	s12 =	smov.u32 s11;
	s11 =	sadd.s32 $0x20, s11  }
0x62: {  	_ =	swait.ge [sflag:s30], $0x4000  }
0x63: {  	[sflag:s30] =	ssyncset.done $0x0  }
0x64: {  	s13 =	sadd.s32 s12, s22;
	[sflag:s30] =	ssyncadd.s32 $0xFFFFC000  }
0x65: {  	[tilespmem:s31], [sflag:$0x3] =	stream.linear.gather [hbm4b:s13+s5], $0x80, $0x38;
	[tilespmem:$0x1D5C0] =	vst v63  }
0x66: {  	_ =	swait.ge [sflag:s23], $0x80  }
0x67: {  	[sflag:s23] =	ssyncset.done $0x0  }
0x68: {  	s13 =	sadd.s32 s12, s21;
	[sflag:s23] =	ssyncadd.s32 $0xFFFFFF80  }
0x69: {  	[tilespmem:s0], [sflag:$0x3] =	stream.linear.gather [hbm4b:s13+s5], $0x80, $0x38;
	[tilespmem:$0x1D5C0] =	vst v63  }
0x6a: {  	_ =	swait.ge [sflag:s23], $0x80  }
0x6b: {  	[sflag:s23] =	ssyncset.done $0x0  }
0x6c: {  	[sflag:s23] =	ssyncadd.s32 $0xFFFFFF80  }
0x6d: {  	[tilespmem:s2], [sflag:$0x2] =	stream.indirect.gather [hbm4b:s1+s28], $0x80, s31, s28, $0xb8;
	[tilespmem:$0x1D5C0] =	vst v63  }
0x6e: {  	_ = 	snop  }
0x6f: {  	[spmem:s3] =	stream.indirect.scatter.add.f32 [tilespmem:s29], [sflag:$0x3], $0x80, s26, s28, $0xb8;
	[tilespmem:$0x1D5C0] =	vst v63  }
0x70: {  	_ =	swait.ge [sflag:s23], $0x4000  }
0x71: {  	[sflag:s23] =	ssyncset.done $0x0  }
0x72: {  	[sflag:s23] =	ssyncadd.s32 $0xFFFFC000  }
0x73: {  	[spmem:s4] =	stream.indirect.scatter.add.f32 [tilespmem:s24], [sflag:$0x3], $0x8, s26, s28, $0xb8;
	[tilespmem:$0x1D5C0] =	vst v63  }
0x74: {  	_ =	swait.ge [sflag:s23], $0x400  }
0x75: {  	[sflag:s23] =	ssyncset.done $0x0  }
0x76: {  	[sflag:s23] =	ssyncadd.s32 $0xFFFFFC00  }
0x77: {  	_ =	swait.ge [sflag:s6], $0x4000  }
0x78: {  	[sflag:s6] =	ssyncset.done $0x0  }
0x79: {  	s13 =	sadd.s32 s12, s20;
	[sflag:s6] =	ssyncadd.s32 $0xFFFFC000  }
0x7a: {  	[tilespmem:s25], [sflag:$0x3] =	stream.linear.gather [hbm4b:s13+s5], $0x80, $0x38;
	[tilespmem:$0x1D5C0] =	vst v63  }
0x7b: {  	_ =	swait.ge [sflag:s23], $0x80  }
0x7c: {  	[sflag:s23] =	ssyncset.done $0x0  }
0x7d: {  	s12 =	sadd.s32 s12, s19;
	[sflag:s23] =	ssyncadd.s32 $0xFFFFFF80  }
0x7e: {  	[tilespmem:s26], [sflag:$0x3] =	stream.linear.gather [hbm4b:s12+s5], $0x80, $0x38;
	[tilespmem:$0x1D5C0] =	vst v63  }
0x7f: {  	_ =	swait.ge [sflag:s23], $0x80  }
0x80: {  	[sflag:s23] =	ssyncset.done $0x0  }
0x81: {  	[sflag:s23] =	ssyncadd.s32 $0xFFFFFF80  }
0x82: {  	[tilespmem:s29], [sflag:$0x1] =	stream.indirect.gather [hbm4b:s1+s28], $0x80, s25, s28, $0xb8;
	[tilespmem:$0x1D5C0] =	vst v63  }
0x83: {  	_ = 	snop  }
0x84: {  	[spmem:s3] =	stream.indirect.scatter.add.f32 [tilespmem:s2], [sflag:$0x3], $0x80, s0, s28, $0xb8;
	[tilespmem:$0x1D5C0] =	vst v63  }
0x85: {  	_ =	swait.ge [sflag:s23], $0x4000  }
.Ltmp0:
0x86: {  	[sflag:s23] =	ssyncset.done $0x0;
	(pc) =	sbr.rel @p0 .LBB2_2-.Ltmp0, $4  }
0x87: {  	[sflag:s23] =	ssyncadd.s32 $0xFFFFC000  }
0x88: {  	[spmem:s4] =	stream.indirect.scatter.add.f32 [tilespmem:s24], [sflag:$0x3], $0x8, s0, s28, $0xb8;
	[tilespmem:$0x1D5C0] =	vst v63  }
0x89: {  	_ =	swait.ge [sflag:s23], $0x400  }
0x8a: {  	[sflag:s23] =	ssyncset.done $0x0  }
0x8b: {  	[sflag:s23] =	ssyncadd.s32 $0xFFFFFC00  }
0x8c: {  	_ =	swait.ge [sflag:s30], $0x4000  }
0x8d: {  	[sflag:s30] =	ssyncset.done $0x0  }
0x8e: {  	[sflag:s30] =	ssyncadd.s32 $0xFFFFC000  }
0x8f: {  	[tilespmem:s31], [sflag:$0x3] =	stream.linear.gather [hbm4b:s17+s5], $0x80, $0x38;
	[tilespmem:$0x1D5C0] =	vst v63  }
0x90: {  	_ =	swait.ge [sflag:s23], $0x80  }
0x91: {  	[sflag:s23] =	ssyncset.done $0x0  }
0x92: {  	[sflag:s23] =	ssyncadd.s32 $0xFFFFFF80  }
0x93: {  	[tilespmem:s0], [sflag:$0x3] =	stream.linear.gather [hbm4b:s18+s5], $0x80, $0x38;
	[tilespmem:$0x1D5C0] =	vst v63  }
0x94: {  	_ =	swait.ge [sflag:s23], $0x80  }
0x95: {  	[sflag:s23] =	ssyncset.done $0x0  }
0x96: {  	[sflag:s23] =	ssyncadd.s32 $0xFFFFFF80  }
0x97: {  	[tilespmem:s2], [sflag:$0x2] =	stream.indirect.gather [hbm4b:s1+s28], $0x80, s31, s28, $0xb8;
	[tilespmem:$0x1D5C0] =	vst v63  }
0x98: {  	_ = 	snop  }
0x99: {  	[spmem:s3] =	stream.indirect.scatter.add.f32 [tilespmem:s29], [sflag:$0x3], $0x80, s26, s28, $0xb8;
	[tilespmem:$0x1D5C0] =	vst v63  }
0x9a: {  	_ =	swait.ge [sflag:s23], $0x4000  }
0x9b: {  	[sflag:s23] =	ssyncset.done $0x0  }
0x9c: {  	[sflag:s23] =	ssyncadd.s32 $0xFFFFC000  }
0x9d: {  	[spmem:s4] =	stream.indirect.scatter.add.f32 [tilespmem:s24], [sflag:$0x3], $0x8, s26, s28, $0xb8;
	[tilespmem:$0x1D5C0] =	vst v63  }
0x9e: {  	_ =	swait.ge [sflag:s23], $0x400  }
0x9f: {  	[sflag:s23] =	ssyncset.done $0x0  }
0xa0: {  	[sflag:s23] =	ssyncadd.s32 $0xFFFFFC00  }
0xa1: {  	_ =	swait.ge [sflag:s6], $0x4000  }
0xa2: {  	[sflag:s6] =	ssyncset.done $0x0  }
0xa3: {  	[sflag:s6] =	ssyncadd.s32 $0xFFFFC000  }
0xa4: {  	[spmem:s3] =	stream.indirect.scatter.add.f32 [tilespmem:s2], [sflag:$0x3], $0x80, s0, s28, $0xb8;
	[tilespmem:$0x1D5C0] =	vst v63  }
0xa5: {  	_ =	swait.ge [sflag:s23], $0x4000  }
0xa6: {  	[sflag:s23] =	ssyncset.done $0x0  }
0xa7: {  	[sflag:s23] =	ssyncadd.s32 $0xFFFFC000  }
0xa8: {  	[spmem:s4] =	stream.indirect.scatter.add.f32 [tilespmem:s24], [sflag:$0x3], $0x8, s0, s28, $0xb8;
	[tilespmem:$0x1D5C0] =	vst v63  }
0xa9: {  	_ =	swait.ge [sflag:s23], $0x400  }
0xaa: {  	[sflag:s23] =	ssyncset.done $0x0  }
0xab: {  	[sflag:s23] =	ssyncadd.s32 $0xFFFFFC00  }
0xac: {  	[bflag:$0x0] =	sbarrier.arrive $0xFFFF  }
0xad: {  	[hbm:s14], [sflag:s9] =	dma.local [spmem:s8], $0x2780  }
0xae: {  	s7 =	sadd.s32 $0x1, s7;
	_ =	swait.ge [sflag:s23], $0x2780  }
0xaf: {  	p0 =	sne.s32 s7, s16;
	[sflag:s23] =	ssyncset.done $0x0  }
.Ltmp1:
0xb0: {  	[sflag:s23] =	ssyncadd.s32 $0xFFFFD880;
	(pc) =	sbr.rel @p0 .LBB2_1-.Ltmp1, $4  }
0xb1: {  	[hbm:s15], [sflag:s9] =	dma.local [spmem:s10], $0x278  }
0xb2: {  	_ =	swait.ge [sflag:s23], $0x278  }
0xb3: {  	[sflag:s23] =	ssyncset.done $0x0  }
0xb4: {  	[sflag:s23] =	ssyncadd.s32 $0xFFFFFD88  }
0xb5: {  	_ =	sfence.sel $0x180000  }
0xb6: {  	[bflag:$0x0] =	sbarrier.arrive $0xFFFF  }
0xb7: {  	_ =	strace $0x90000047  }
0xb8: {  	s0 =	stileid.u32;
	[bflag:$0x2] =	sbarrier.arrive $0xFFFF  }
0xb9: {  	p0 =	sne.s32 s0, $0x0;
	s0 =	rddreg [dreg:$0x5]  }
0xba: {  	s0 =	sadd.s32 @!p0 $0x100000, s0  }
0xbb: {  	[sflag:s0] =	ssyncadd.tile.s32 @!p0 $0x1;
	_ =	shalt  }
.Lfunc_end2:
_tile_overlayer_lowered:
.L_overlay_start_2:
0xbc: {  	(tag) =	ssettag $0x2  }
0xbd: {  	s0 =	rddreg [dreg:$0x0];
	s2 =	stileid.u32  }
0xbe: {  	s1 =	rddreg [dreg:$0x1];
	p0 =	sne.s32 s2, $0x0  }
0xbf: {  	s3 =	rddreg [dreg:$0x2];
	[bflag:$0x3] =	sbarrier.arrive $0xFFFF;
	s2 =	simm.s32 @!p0 $0x1C03  }
0xc0: {  	[timem:s3], [sflag:s2] =	dma.local @!p0 [hbm:s0], s1  }
0xc1: {  	s0 =	simm.s32 @!p0 $0x3  }
0xc2: {  	_ =	swait.ge @!p0 [sflag:s0], s1  }
0xc3: {  	s1 =	ssub.s32 @!p0 $0x0, s1;
	[sflag:s0] =	ssyncset.done @!p0 $0x0  }
0xc4: {  	[sflag:s0] =	ssyncadd.s32 @!p0 s1  }
0xc5: {  	[bflag:$0x3] =	sbarrier.arrive $0xFFFF  }
0xc6: {  	_ =	shalt  }

</sc_bundles>
